<compile_context>
chip_gen: v7x
topology: tpu7x:2x2x1
jax: 0.10.2.dev20260603
libtpu: 0.0.44.dev20260713+nightly
codegen_flags: <defaults>
</compile_context>

<pallas_src>
import functools

import jax
import jax.numpy as jnp
from jax import lax
from jax.experimental import pallas as pl
from jax.experimental.pallas import tpu as pltpu
from jax.experimental.pallas import tpu_sc as plsc

DIM = 768
BATCH = 64
SEQ = 576
ROWS = BATCH * SEQ
TAB = 64

NUM_CORES = 2
NUM_SUBCORES = 16
NUM_WORKERS = NUM_CORES * NUM_SUBCORES

SC_ROWS = 18432
TC_ROWS = ROWS - SC_ROWS

ROWS_PER_WORKER = SC_ROWS // NUM_WORKERS
CHUNK = 48
NUM_CHUNKS = ROWS_PER_WORKER // CHUNK
NUM_TRIPLES = NUM_CHUNKS // 3

TCB = 512
HEAD_BLOCKS = SC_ROWS // TCB
TC_BLOCKS = TC_ROWS // TCB


def _sum_table_tc(h_ref, w_ref, sum_ref, tab2_ref):
    h = h_ref[...]
    w = w_ref[...]
    sum_ref[...] = h[:, None, :] + w[None, :, :]
    tab2_ref[...] = jnp.concatenate([h, w], axis=0)


def _build_sum_table(h_table, w_table):
    return pl.pallas_call(
        _sum_table_tc,
        out_shape=[
            jax.ShapeDtypeStruct((TAB, TAB, DIM), jnp.float32),
            jax.ShapeDtypeStruct((2 * TAB, DIM), jnp.float32),
        ],
    )(h_table, w_table)


def _tail_tc(fidx_ref, tab2_ref, sc_ref, out_ref):
    del sc_ref
    k = fidx_ref[...][:, None]
    iota = lax.broadcasted_iota(jnp.int32, (TCB, TAB), 1)
    oh_h = ((k >> 6) == iota).astype(jnp.float32)
    oh_w = ((k & (TAB - 1)) == iota).astype(jnp.float32)
    oh = jnp.concatenate([oh_h, oh_w], axis=1)
    out_ref[...] = lax.dot_general(
        oh, tab2_ref[...], (((1,), (0,)), ((), ())),
        preferred_element_type=jnp.float32)


def _tail_lookup(fidx, tab2, sc_out):
    return pl.pallas_call(
        _tail_tc,
        grid=(TC_BLOCKS,),
        in_specs=[
            pl.BlockSpec((TCB,), lambda i: (HEAD_BLOCKS + i,)),
            pl.BlockSpec((2 * TAB, DIM), lambda i: (0, 0)),
            pl.BlockSpec(memory_space=pl.ANY),
        ],
        out_specs=pl.BlockSpec((TCB, DIM), lambda i: (HEAD_BLOCKS + i, 0)),
        out_shape=jax.ShapeDtypeStruct((ROWS, DIM), jnp.float32),
        input_output_aliases={2: 0},
    )(fidx, tab2, sc_out)


_MESH = plsc.VectorSubcoreMesh(core_axis_name="c", subcore_axis_name="s")


@functools.partial(
    pl.kernel,
    out_type=jax.ShapeDtypeStruct((ROWS, DIM), jnp.float32),
    mesh=_MESH,
    scratch_types=[
        pltpu.VMEM((ROWS_PER_WORKER,), jnp.int32),
        pltpu.VMEM((CHUNK, DIM), jnp.float32),
        pltpu.VMEM((CHUNK, DIM), jnp.float32),
        pltpu.VMEM((CHUNK, DIM), jnp.float32),
        pltpu.SemaphoreType.DMA,
        pltpu.SemaphoreType.DMA,
        pltpu.SemaphoreType.DMA,
        pltpu.SemaphoreType.DMA,
        pltpu.SemaphoreType.DMA,
        pltpu.SemaphoreType.DMA,
    ],
)
def _gather_sc(fidx_hbm, sum_tab_hbm, out_hbm,
               idx_v, buf_0, buf_1, buf_2,
               gs_0, gs_1, gs_2, os_0, os_1, os_2):
    wid = lax.axis_index("s") * NUM_CORES + lax.axis_index("c")
    base = wid * ROWS_PER_WORKER
    pltpu.sync_copy(fidx_hbm.at[pl.ds(base, ROWS_PER_WORKER)], idx_v)

    bufs = (buf_0, buf_1, buf_2)
    gsems = (gs_0, gs_1, gs_2)
    osems = (os_0, os_1, os_2)

    def gather(chunk, slot):
        pltpu.async_copy(
            sum_tab_hbm.at[idx_v.at[pl.ds(chunk * CHUNK, CHUNK)]],
            bufs[slot], gsems[slot])

    def wait_gather(chunk, slot):
        pltpu.make_async_copy(
            sum_tab_hbm.at[idx_v.at[pl.ds(chunk * CHUNK, CHUNK)]],
            bufs[slot], gsems[slot]).wait()

    def writeback(chunk, slot):
        pltpu.async_copy(
            bufs[slot], out_hbm.at[pl.ds(base + chunk * CHUNK, CHUNK)],
            osems[slot])

    def wait_writeback(chunk, slot):
        pltpu.make_async_copy(
            bufs[slot], out_hbm.at[pl.ds(base + chunk * CHUNK, CHUNK)],
            osems[slot]).wait()

    gather(0, 0)
    gather(1, 1)

    def triple_body(t, carry):
        for s in range(3):
            i = 3 * t + s

            def step(first, last):
                wait_gather(i, s)
                writeback(i, s)
                nxt = (s + 2) % 3

                @pl.when(jnp.logical_not(first))
                def _():
                    wait_writeback(i - 1, nxt)

                @pl.when(jnp.logical_not(last))
                def _():
                    gather(i + 2, nxt)

            if s == 0:
                step(t == 0, jnp.bool_(False))
            else:
                step(jnp.bool_(False), t == NUM_TRIPLES - 1)
        return carry

    lax.fori_loop(0, NUM_TRIPLES, triple_body, 0)
    wait_writeback(NUM_CHUNKS - 1, 2)


def kernel(position_ids, h_table, w_table):
    ids = position_ids.astype(jnp.int32)
    fidx = (ids[..., 0] * TAB + ids[..., 1]).reshape(ROWS)
    sum_tab, tab2 = _build_sum_table(h_table, w_table)
    sc_out = _gather_sc(fidx, sum_tab.reshape(TAB * TAB, DIM))
    out = _tail_lookup(fidx, tab2, sc_out)
    return out.reshape(BATCH, SEQ, DIM)

# --- scband reference (transcript-rebuilt; emitter-appended) ---
"""Pipeline reference for scband-positional-embeddings-6983616823564 (READ-ONLY COPY).

The authoritative reference and input builder live on the scoring server;
editing this copy changes nothing except your own understanding.
"""

import jax, jax.numpy as jnp
import numpy as np

DIM = 768
MAX_H = 64
MAX_W = 64
BATCH = 64
SEQ = 576

def setup_inputs(seed: int = 0) -> dict:
    key = jax.random.key(seed)
    k_idx, k_h, k_w = jax.random.split(key, 3)
    position_ids = jax.random.randint(k_idx, (BATCH, SEQ, 2), 0, MAX_H, dtype=jnp.int64 if jax.config.jax_enable_x64 else jnp.int32)
    h_table = jax.random.normal(k_h, (MAX_H, DIM), dtype=jnp.float32)
    w_table = jax.random.normal(k_w, (MAX_W, DIM), dtype=jnp.float32)
    return {"position_ids": position_ids, "h_table": h_table, "w_table": w_table}

def reference(position_ids, h_table, w_table):
    h_indices = position_ids[..., 0]
    w_indices = position_ids[..., 1]
    h_embed = jnp.take(h_table, h_indices, axis=0)
    w_embed = jnp.take(w_table, w_indices, axis=0)
    return h_embed + w_embed

if __name__ == "__main__":
    import jax
    _d = setup_inputs()
    print(jax.jit(kernel)(*tuple(_d.values())))

</pallas_src>

<mosaic_0001>
#map = affine_map<(d0, d1) -> (0)>
#map1 = affine_map<(d0, d1) -> (0, 0)>
module attributes {stable_mosaic.version = 14 : i64} {
  func.func @_gather_sc(%arg0: i32, %arg1: i32, %arg2: memref<36864xi32, #tpu.memory_space<hbm>>, %arg3: memref<4096x768xf32, #tpu.memory_space<hbm>>, %arg4: memref<36864x768xf32, #tpu.memory_space<hbm>>, %arg5: memref<576xi32, #tpu.memory_space<vmem>>, %arg6: memref<48x768xf32, #tpu.memory_space<vmem>>, %arg7: memref<48x768xf32, #tpu.memory_space<vmem>>, %arg8: memref<48x768xf32, #tpu.memory_space<vmem>>, %arg9: memref<!tpu.dma_semaphore, #tpu.memory_space<semaphore_mem>>, %arg10: memref<!tpu.dma_semaphore, #tpu.memory_space<semaphore_mem>>, %arg11: memref<!tpu.dma_semaphore, #tpu.memory_space<semaphore_mem>>, %arg12: memref<!tpu.dma_semaphore, #tpu.memory_space<semaphore_mem>>, %arg13: memref<!tpu.dma_semaphore, #tpu.memory_space<semaphore_mem>>, %arg14: memref<!tpu.dma_semaphore, #tpu.memory_space<semaphore_mem>>) attributes {dimension_semantics = [#tpu.dimension_semantics<core_parallel>, #tpu.dimension_semantics<subcore_parallel>], iteration_bounds = array<i64: 2, 16>, scalar_prefetch = 0 : i64, scratch_operands = 10 : i64, tpu.core_type = #tpu.core_type<sc_vector_subcore>, window_params = [{transform_indices = #map}, {transform_indices = #map1}, {transform_indices = #map1}]} {
    %mul3A = arith.constant 2 : i32
    %mul3A_0 = arith.muli %arg1, %mul3A : i32
    %add3A = arith.addi %mul3A_0, %arg0 : i32
    %mul3A_1 = arith.constant 576 : i32
    %mul3A_2 = arith.muli %add3A, %mul3A_1 : i32
    "tpu.region"() ({
      %run_scoped3A = tpu.sem_alloc : memref<!tpu.dma_semaphore, #tpu.memory_space<semaphore_mem>>
      %dma_start3A_22 = tpu.memref_slice %arg2[%mul3A_2] : memref<36864xi32, #tpu.memory_space<hbm>> -> memref<576xi32, #tpu.memory_space<hbm>>
      %dma_start3A_23 = tpu.memref_slice %arg2[%mul3A_2] : memref<36864xi32, #tpu.memory_space<hbm>> -> memref<576xi32, #tpu.memory_space<hbm>>
      tpu.enqueue_dma source(%dma_start3A_23 : memref<576xi32, #tpu.memory_space<hbm>>) target(%arg5 : memref<576xi32, #tpu.memory_space<vmem>>) target_semaphore(%run_scoped3A : memref<!tpu.dma_semaphore, #tpu.memory_space<semaphore_mem>>)
      %dma_wait3A_24 = tpu.memref_slice %arg2[%mul3A_2] : memref<36864xi32, #tpu.memory_space<hbm>> -> memref<576xi32, #tpu.memory_space<hbm>>
      %dma_wait3A_25 = tpu.memref_slice %arg2[%mul3A_2] : memref<36864xi32, #tpu.memory_space<hbm>> -> memref<576xi32, #tpu.memory_space<hbm>>
      tpu.wait_dma2 semaphore(%run_scoped3A : memref<!tpu.dma_semaphore, #tpu.memory_space<semaphore_mem>>) src(%dma_wait3A_25 : memref<576xi32, #tpu.memory_space<hbm>>) dst(%arg5 : memref<576xi32, #tpu.memory_space<vmem>>)
      tpu.yield
    }) : () -> ()
    %dma_start3A = arith.constant 0 : i32
    %dma_start3A_3 = tpu.memref_slice %arg5[%dma_start3A] : memref<576xi32, #tpu.memory_space<vmem>> -> memref<48xi32, #tpu.memory_space<vmem>>
    %dma_start3A_4 = arith.constant 0 : i32
    %dma_start3A_5 = arith.constant 0 : i32
    %dma_start3A_6 = tpu.memref_slice %arg3[%dma_start3A_4, %dma_start3A_5] : memref<4096x768xf32, #tpu.memory_space<hbm>> -> memref<4096x768xf32, #tpu.memory_space<hbm>>
    tpu.enqueue_indirect_dma source(%dma_start3A_6 : memref<4096x768xf32, #tpu.memory_space<hbm>>) target(%arg6 : memref<48x768xf32, #tpu.memory_space<vmem>>) offsets(%dma_start3A_3 : memref<48xi32, #tpu.memory_space<vmem>>) semaphore(%arg9 : memref<!tpu.dma_semaphore, #tpu.memory_space<semaphore_mem>>)
    %dma_start3A_7 = arith.constant 48 : i32
    %dma_start3A_8 = tpu.memref_slice %arg5[%dma_start3A_7] : memref<576xi32, #tpu.memory_space<vmem>> -> memref<48xi32, #tpu.memory_space<vmem>>
    %dma_start3A_9 = arith.constant 0 : i32
    %dma_start3A_10 = arith.constant 0 : i32
    %dma_start3A_11 = tpu.memref_slice %arg3[%dma_start3A_9, %dma_start3A_10] : memref<4096x768xf32, #tpu.memory_space<hbm>> -> memref<4096x768xf32, #tpu.memory_space<hbm>>
    tpu.enqueue_indirect_dma source(%dma_start3A_11 : memref<4096x768xf32, #tpu.memory_space<hbm>>) target(%arg7 : memref<48x768xf32, #tpu.memory_space<vmem>>) offsets(%dma_start3A_8 : memref<48xi32, #tpu.memory_space<vmem>>) semaphore(%arg10 : memref<!tpu.dma_semaphore, #tpu.memory_space<semaphore_mem>>)
    %scan3A = arith.constant 0 : i32
    %scan3A_12 = arith.constant 0 : i32
    %scan3A_13 = arith.constant 4 : i32
    %scan3A_14 = arith.addi %scan3A_12, %scan3A_13 : i32
    %scan3A_15 = arith.constant 1 : i32
    scf.for %scan3A_22 = %scan3A_12 to %scan3A_14 step %scan3A_15  : i32 {
      %mul3A_23 = arith.constant 3 : i32
      %mul3A_24 = arith.muli %mul3A_23, %scan3A_22 : i32
      %add3A_25 = arith.constant 0 : i32
      %add3A_26 = arith.addi %mul3A_24, %add3A_25 : i32
      %eq3A = arith.constant 0 : i32
      %eq3A_27 = arith.cmpi eq, %scan3A_22, %eq3A : i32
      %mul3A_28 = arith.constant 48 : i32
      %mul3A_29 = arith.muli %add3A_26, %mul3A_28 : i32
      %dma_wait3A_30 = tpu.memref_slice %arg5[%mul3A_29] : memref<576xi32, #tpu.memory_space<vmem>> -> memref<48xi32, #tpu.memory_space<vmem>>
      %dma_wait3A_31 = arith.constant 0 : i32
      %dma_wait3A_32 = arith.constant 0 : i32
      %dma_wait3A_33 = tpu.memref_slice %arg3[%dma_wait3A_31, %dma_wait3A_32] : memref<4096x768xf32, #tpu.memory_space<hbm>> -> memref<4096x768xf32, #tpu.memory_space<hbm>>
      tpu.wait_indirect_dma semaphore(%arg9 : memref<!tpu.dma_semaphore, #tpu.memory_space<semaphore_mem>>) src(%dma_wait3A_33 : memref<4096x768xf32, #tpu.memory_space<hbm>>) dst(%arg6 : memref<48x768xf32, #tpu.memory_space<vmem>>)
      %mul3A_34 = arith.constant 48 : i32
      %mul3A_35 = arith.muli %add3A_26, %mul3A_34 : i32
      %add3A_36 = arith.addi %mul3A_2, %mul3A_35 : i32
      %dma_start3A_37 = arith.constant 0 : i32
      %dma_start3A_38 = tpu.memref_slice %arg4[%add3A_36, %dma_start3A_37] : memref<36864x768xf32, #tpu.memory_space<hbm>> -> memref<48x768xf32, #tpu.memory_space<hbm>>
      %dma_start3A_39 = arith.constant 0 : i32
      %dma_start3A_40 = tpu.memref_slice %arg4[%add3A_36, %dma_start3A_39] : memref<36864x768xf32, #tpu.memory_space<hbm>> -> memref<48x768xf32, #tpu.memory_space<hbm>>
      tpu.enqueue_dma source(%arg6 : memref<48x768xf32, #tpu.memory_space<vmem>>) target(%dma_start3A_40 : memref<48x768xf32, #tpu.memory_space<hbm>>) target_semaphore(%arg12 : memref<!tpu.dma_semaphore, #tpu.memory_space<semaphore_mem>>)
      %not3A = arith.constant true
      %not3A_41 = arith.xori %eq3A_27, %not3A : i1
      %convert_element_type3A = arith.extui %not3A_41 : i1 to i32
      %cond3A = arith.constant 0 : i32
      %cond3A_42 = arith.cmpi ne, %convert_element_type3A, %cond3A : i32
      scf.if %cond3A_42 {
        %sub3A = arith.constant 1 : i32
        %sub3A_109 = arith.subi %add3A_26, %sub3A : i32
        %mul3A_110 = arith.constant 48 : i32
        %mul3A_111 = arith.muli %sub3A_109, %mul3A_110 : i32
        %add3A_112 = arith.addi %mul3A_2, %mul3A_111 : i32
        %dma_wait3A_113 = arith.constant 0 : i32
        %dma_wait3A_114 = tpu.memref_slice %arg4[%add3A_112, %dma_wait3A_113] : memref<36864x768xf32, #tpu.memory_space<hbm>> -> memref<48x768xf32, #tpu.memory_space<hbm>>
        %dma_wait3A_115 = arith.constant 0 : i32
        %dma_wait3A_116 = tpu.memref_slice %arg4[%add3A_112, %dma_wait3A_115] : memref<36864x768xf32, #tpu.memory_space<hbm>> -> memref<48x768xf32, #tpu.memory_space<hbm>>
        tpu.wait_dma2 semaphore(%arg14 : memref<!tpu.dma_semaphore, #tpu.memory_space<semaphore_mem>>) src(%arg8 : memref<48x768xf32, #tpu.memory_space<vmem>>) dst(%dma_wait3A_116 : memref<48x768xf32, #tpu.memory_space<hbm>>)
      } else {
      }
      %not3A_43 = arith.constant false
      %not3A_44 = arith.constant true
      %not3A_45 = arith.xori %not3A_43, %not3A_44 : i1
      %convert_element_type3A_46 = arith.extui %not3A_45 : i1 to i32
      %cond3A_47 = arith.constant 0 : i32
      %cond3A_48 = arith.cmpi ne, %convert_element_type3A_46, %cond3A_47 : i32
      scf.if %cond3A_48 {
        %add3A_109 = arith.constant 2 : i32
        %add3A_110 = arith.addi %add3A_26, %add3A_109 : i32
        %mul3A_111 = arith.constant 48 : i32
        %mul3A_112 = arith.muli %add3A_110, %mul3A_111 : i32
        %dma_start3A_113 = tpu.memref_slice %arg5[%mul3A_112] : memref<576xi32, #tpu.memory_space<vmem>> -> memref<48xi32, #tpu.memory_space<vmem>>
        %dma_start3A_114 = arith.constant 0 : i32
        %dma_start3A_115 = arith.constant 0 : i32
        %dma_start3A_116 = tpu.memref_slice %arg3[%dma_start3A_114, %dma_start3A_115] : memref<4096x768xf32, #tpu.memory_space<hbm>> -> memref<4096x768xf32, #tpu.memory_space<hbm>>
        tpu.enqueue_indirect_dma source(%dma_start3A_116 : memref<4096x768xf32, #tpu.memory_space<hbm>>) target(%arg8 : memref<48x768xf32, #tpu.memory_space<vmem>>) offsets(%dma_start3A_113 : memref<48xi32, #tpu.memory_space<vmem>>) semaphore(%arg11 : memref<!tpu.dma_semaphore, #tpu.memory_space<semaphore_mem>>)
      } else {
      }
      %mul3A_49 = arith.constant 3 : i32
      %mul3A_50 = arith.muli %mul3A_49, %scan3A_22 : i32
      %add3A_51 = arith.constant 1 : i32
      %add3A_52 = arith.addi %mul3A_50, %add3A_51 : i32
      %eq3A_53 = arith.constant 3 : i32
      %eq3A_54 = arith.cmpi eq, %scan3A_22, %eq3A_53 : i32
      %mul3A_55 = arith.constant 48 : i32
      %mul3A_56 = arith.muli %add3A_52, %mul3A_55 : i32
      %dma_wait3A_57 = tpu.memref_slice %arg5[%mul3A_56] : memref<576xi32, #tpu.memory_space<vmem>> -> memref<48xi32, #tpu.memory_space<vmem>>
      %dma_wait3A_58 = arith.constant 0 : i32
      %dma_wait3A_59 = arith.constant 0 : i32
      %dma_wait3A_60 = tpu.memref_slice %arg3[%dma_wait3A_58, %dma_wait3A_59] : memref<4096x768xf32, #tpu.memory_space<hbm>> -> memref<4096x768xf32, #tpu.memory_space<hbm>>
      tpu.wait_indirect_dma semaphore(%arg10 : memref<!tpu.dma_semaphore, #tpu.memory_space<semaphore_mem>>) src(%dma_wait3A_60 : memref<4096x768xf32, #tpu.memory_space<hbm>>) dst(%arg7 : memref<48x768xf32, #tpu.memory_space<vmem>>)
      %mul3A_61 = arith.constant 48 : i32
      %mul3A_62 = arith.muli %add3A_52, %mul3A_61 : i32
      %add3A_63 = arith.addi %mul3A_2, %mul3A_62 : i32
      %dma_start3A_64 = arith.constant 0 : i32
      %dma_start3A_65 = tpu.memref_slice %arg4[%add3A_63, %dma_start3A_64] : memref<36864x768xf32, #tpu.memory_space<hbm>> -> memref<48x768xf32, #tpu.memory_space<hbm>>
      %dma_start3A_66 = arith.constant 0 : i32
      %dma_start3A_67 = tpu.memref_slice %arg4[%add3A_63, %dma_start3A_66] : memref<36864x768xf32, #tpu.memory_space<hbm>> -> memref<48x768xf32, #tpu.memory_space<hbm>>
      tpu.enqueue_dma source(%arg7 : memref<48x768xf32, #tpu.memory_space<vmem>>) target(%dma_start3A_67 : memref<48x768xf32, #tpu.memory_space<hbm>>) target_semaphore(%arg13 : memref<!tpu.dma_semaphore, #tpu.memory_space<semaphore_mem>>)
      %not3A_68 = arith.constant false
      %not3A_69 = arith.constant true
      %not3A_70 = arith.xori %not3A_68, %not3A_69 : i1
      %convert_element_type3A_71 = arith.extui %not3A_70 : i1 to i32
      %cond3A_72 = arith.constant 0 : i32
      %cond3A_73 = arith.cmpi ne, %convert_element_type3A_71, %cond3A_72 : i32
      scf.if %cond3A_73 {
        %sub3A = arith.constant 1 : i32
        %sub3A_109 = arith.subi %add3A_52, %sub3A : i32
        %mul3A_110 = arith.constant 48 : i32
        %mul3A_111 = arith.muli %sub3A_109, %mul3A_110 : i32
        %add3A_112 = arith.addi %mul3A_2, %mul3A_111 : i32
        %dma_wait3A_113 = arith.constant 0 : i32
        %dma_wait3A_114 = tpu.memref_slice %arg4[%add3A_112, %dma_wait3A_113] : memref<36864x768xf32, #tpu.memory_space<hbm>> -> memref<48x768xf32, #tpu.memory_space<hbm>>
        %dma_wait3A_115 = arith.constant 0 : i32
        %dma_wait3A_116 = tpu.memref_slice %arg4[%add3A_112, %dma_wait3A_115] : memref<36864x768xf32, #tpu.memory_space<hbm>> -> memref<48x768xf32, #tpu.memory_space<hbm>>
        tpu.wait_dma2 semaphore(%arg12 : memref<!tpu.dma_semaphore, #tpu.memory_space<semaphore_mem>>) src(%arg6 : memref<48x768xf32, #tpu.memory_space<vmem>>) dst(%dma_wait3A_116 : memref<48x768xf32, #tpu.memory_space<hbm>>)
      } else {
      }
      %not3A_74 = arith.constant true
      %not3A_75 = arith.xori %eq3A_54, %not3A_74 : i1
      %convert_element_type3A_76 = arith.extui %not3A_75 : i1 to i32
      %cond3A_77 = arith.constant 0 : i32
      %cond3A_78 = arith.cmpi ne, %convert_element_type3A_76, %cond3A_77 : i32
      scf.if %cond3A_78 {
        %add3A_109 = arith.constant 2 : i32
        %add3A_110 = arith.addi %add3A_52, %add3A_109 : i32
        %mul3A_111 = arith.constant 48 : i32
        %mul3A_112 = arith.muli %add3A_110, %mul3A_111 : i32
        %dma_start3A_113 = tpu.memref_slice %arg5[%mul3A_112] : memref<576xi32, #tpu.memory_space<vmem>> -> memref<48xi32, #tpu.memory_space<vmem>>
        %dma_start3A_114 = arith.constant 0 : i32
        %dma_start3A_115 = arith.constant 0 : i32
        %dma_start3A_116 = tpu.memref_slice %arg3[%dma_start3A_114, %dma_start3A_115] : memref<4096x768xf32, #tpu.memory_space<hbm>> -> memref<4096x768xf32, #tpu.memory_space<hbm>>
        tpu.enqueue_indirect_dma source(%dma_start3A_116 : memref<4096x768xf32, #tpu.memory_space<hbm>>) target(%arg6 : memref<48x768xf32, #tpu.memory_space<vmem>>) offsets(%dma_start3A_113 : memref<48xi32, #tpu.memory_space<vmem>>) semaphore(%arg9 : memref<!tpu.dma_semaphore, #tpu.memory_space<semaphore_mem>>)
      } else {
      }
      %mul3A_79 = arith.constant 3 : i32
      %mul3A_80 = arith.muli %mul3A_79, %scan3A_22 : i32
      %add3A_81 = arith.constant 2 : i32
      %add3A_82 = arith.addi %mul3A_80, %add3A_81 : i32
      %eq3A_83 = arith.constant 3 : i32
      %eq3A_84 = arith.cmpi eq, %scan3A_22, %eq3A_83 : i32
      %mul3A_85 = arith.constant 48 : i32
      %mul3A_86 = arith.muli %add3A_82, %mul3A_85 : i32
      %dma_wait3A_87 = tpu.memref_slice %arg5[%mul3A_86] : memref<576xi32, #tpu.memory_space<vmem>> -> memref<48xi32, #tpu.memory_space<vmem>>
      %dma_wait3A_88 = arith.constant 0 : i32
      %dma_wait3A_89 = arith.constant 0 : i32
      %dma_wait3A_90 = tpu.memref_slice %arg3[%dma_wait3A_88, %dma_wait3A_89] : memref<4096x768xf32, #tpu.memory_space<hbm>> -> memref<4096x768xf32, #tpu.memory_space<hbm>>
      tpu.wait_indirect_dma semaphore(%arg11 : memref<!tpu.dma_semaphore, #tpu.memory_space<semaphore_mem>>) src(%dma_wait3A_90 : memref<4096x768xf32, #tpu.memory_space<hbm>>) dst(%arg8 : memref<48x768xf32, #tpu.memory_space<vmem>>)
      %mul3A_91 = arith.constant 48 : i32
      %mul3A_92 = arith.muli %add3A_82, %mul3A_91 : i32
      %add3A_93 = arith.addi %mul3A_2, %mul3A_92 : i32
      %dma_start3A_94 = arith.constant 0 : i32
      %dma_start3A_95 = tpu.memref_slice %arg4[%add3A_93, %dma_start3A_94] : memref<36864x768xf32, #tpu.memory_space<hbm>> -> memref<48x768xf32, #tpu.memory_space<hbm>>
      %dma_start3A_96 = arith.constant 0 : i32
      %dma_start3A_97 = tpu.memref_slice %arg4[%add3A_93, %dma_start3A_96] : memref<36864x768xf32, #tpu.memory_space<hbm>> -> memref<48x768xf32, #tpu.memory_space<hbm>>
      tpu.enqueue_dma source(%arg8 : memref<48x768xf32, #tpu.memory_space<vmem>>) target(%dma_start3A_97 : memref<48x768xf32, #tpu.memory_space<hbm>>) target_semaphore(%arg14 : memref<!tpu.dma_semaphore, #tpu.memory_space<semaphore_mem>>)
      %not3A_98 = arith.constant false
      %not3A_99 = arith.constant true
      %not3A_100 = arith.xori %not3A_98, %not3A_99 : i1
      %convert_element_type3A_101 = arith.extui %not3A_100 : i1 to i32
      %cond3A_102 = arith.constant 0 : i32
      %cond3A_103 = arith.cmpi ne, %convert_element_type3A_101, %cond3A_102 : i32
      scf.if %cond3A_103 {
        %sub3A = arith.constant 1 : i32
        %sub3A_109 = arith.subi %add3A_82, %sub3A : i32
        %mul3A_110 = arith.constant 48 : i32
        %mul3A_111 = arith.muli %sub3A_109, %mul3A_110 : i32
        %add3A_112 = arith.addi %mul3A_2, %mul3A_111 : i32
        %dma_wait3A_113 = arith.constant 0 : i32
        %dma_wait3A_114 = tpu.memref_slice %arg4[%add3A_112, %dma_wait3A_113] : memref<36864x768xf32, #tpu.memory_space<hbm>> -> memref<48x768xf32, #tpu.memory_space<hbm>>
        %dma_wait3A_115 = arith.constant 0 : i32
        %dma_wait3A_116 = tpu.memref_slice %arg4[%add3A_112, %dma_wait3A_115] : memref<36864x768xf32, #tpu.memory_space<hbm>> -> memref<48x768xf32, #tpu.memory_space<hbm>>
        tpu.wait_dma2 semaphore(%arg13 : memref<!tpu.dma_semaphore, #tpu.memory_space<semaphore_mem>>) src(%arg7 : memref<48x768xf32, #tpu.memory_space<vmem>>) dst(%dma_wait3A_116 : memref<48x768xf32, #tpu.memory_space<hbm>>)
      } else {
      }
      %not3A_104 = arith.constant true
      %not3A_105 = arith.xori %eq3A_84, %not3A_104 : i1
      %convert_element_type3A_106 = arith.extui %not3A_105 : i1 to i32
      %cond3A_107 = arith.constant 0 : i32
      %cond3A_108 = arith.cmpi ne, %convert_element_type3A_106, %cond3A_107 : i32
      scf.if %cond3A_108 {
        %add3A_109 = arith.constant 2 : i32
        %add3A_110 = arith.addi %add3A_82, %add3A_109 : i32
        %mul3A_111 = arith.constant 48 : i32
        %mul3A_112 = arith.muli %add3A_110, %mul3A_111 : i32
        %dma_start3A_113 = tpu.memref_slice %arg5[%mul3A_112] : memref<576xi32, #tpu.memory_space<vmem>> -> memref<48xi32, #tpu.memory_space<vmem>>
        %dma_start3A_114 = arith.constant 0 : i32
        %dma_start3A_115 = arith.constant 0 : i32
        %dma_start3A_116 = tpu.memref_slice %arg3[%dma_start3A_114, %dma_start3A_115] : memref<4096x768xf32, #tpu.memory_space<hbm>> -> memref<4096x768xf32, #tpu.memory_space<hbm>>
        tpu.enqueue_indirect_dma source(%dma_start3A_116 : memref<4096x768xf32, #tpu.memory_space<hbm>>) target(%arg7 : memref<48x768xf32, #tpu.memory_space<vmem>>) offsets(%dma_start3A_113 : memref<48xi32, #tpu.memory_space<vmem>>) semaphore(%arg10 : memref<!tpu.dma_semaphore, #tpu.memory_space<semaphore_mem>>)
      } else {
      }
    }
    %scan3A_16 = arith.constant 4 : i32
    %add3A_17 = arith.constant 528 : i32
    %add3A_18 = arith.addi %mul3A_2, %add3A_17 : i32
    %dma_wait3A = arith.constant 0 : i32
    %dma_wait3A_19 = tpu.memref_slice %arg4[%add3A_18, %dma_wait3A] : memref<36864x768xf32, #tpu.memory_space<hbm>> -> memref<48x768xf32, #tpu.memory_space<hbm>>
    %dma_wait3A_20 = arith.constant 0 : i32
    %dma_wait3A_21 = tpu.memref_slice %arg4[%add3A_18, %dma_wait3A_20] : memref<36864x768xf32, #tpu.memory_space<hbm>> -> memref<48x768xf32, #tpu.memory_space<hbm>>
    tpu.wait_dma2 semaphore(%arg14 : memref<!tpu.dma_semaphore, #tpu.memory_space<semaphore_mem>>) src(%arg8 : memref<48x768xf32, #tpu.memory_space<vmem>>) dst(%dma_wait3A_21 : memref<48x768xf32, #tpu.memory_space<hbm>>)
    return
  }
}

module attributes {stable_mosaic.version = 14 : i64} {
  func.func @_tail_tc(%arg0: i32, %arg1: memref<512xi32, #tpu.memory_space<vmem>>, %arg2: memref<128x768xf32, #tpu.memory_space<vmem>>, %arg3: memref<36864x768xf32, #tpu.memory_space<any>>, %arg4: memref<512x768xf32, #tpu.memory_space<vmem>>) attributes {dimension_semantics = [#tpu.dimension_semantics<arbitrary>], iteration_bounds = array<i64: 36>, scalar_prefetch = 0 : i64, scratch_operands = 0 : i64, tpu.core_type = #tpu.core_type<tc>, window_params = [{transform_indices = @transform_0, window_bounds = array<i64: 512>}, {pipeline_mode = #tpu.pipeline_mode<synchronous>, transform_indices = @transform_1, window_bounds = array<i64: 128, 768>}, {}, {transform_indices = @transform_3, window_bounds = array<i64: 512, 768>}]} {
    %get3A = arith.constant 0 : index
    %get3A_0 = vector.load %arg1[%get3A] : memref<512xi32, #tpu.memory_space<vmem>>, vector<512xi32>
    %broadcast_in_dim3A = vector.shape_cast %get3A_0 : vector<512xi32> to vector<512x1xi32>
    %iota3A = tpu.iota {dimensions = array<i32: 1>} : vector<512x64xi32>
    %shift_right_arithmetic3A = arith.constant 6 : i32
    %shift_right_arithmetic3A_1 = vector.broadcast %shift_right_arithmetic3A : i32 to vector<512x1xi32>
    %shift_right_arithmetic3A_2 = arith.shrsi %broadcast_in_dim3A, %shift_right_arithmetic3A_1 : vector<512x1xi32>
    %eq3A = vector.broadcast %shift_right_arithmetic3A_2 : vector<512x1xi32> to vector<512x64xi32>
    %eq3A_3 = arith.cmpi eq, %eq3A, %iota3A : vector<512x64xi32>
    %convert_element_type3A = arith.extui %eq3A_3 : vector<512x64xi1> to vector<512x64xi32>
    %convert_element_type3A_4 = arith.sitofp %convert_element_type3A : vector<512x64xi32> to vector<512x64xf32>
    %and3A = arith.constant 63 : i32
    %and3A_5 = vector.broadcast %and3A : i32 to vector<512x1xi32>
    %and3A_6 = arith.andi %broadcast_in_dim3A, %and3A_5 : vector<512x1xi32>
    %eq3A_7 = vector.broadcast %and3A_6 : vector<512x1xi32> to vector<512x64xi32>
    %eq3A_8 = arith.cmpi eq, %eq3A_7, %iota3A : vector<512x64xi32>
    %convert_element_type3A_9 = arith.extui %eq3A_8 : vector<512x64xi1> to vector<512x64xi32>
    %convert_element_type3A_10 = arith.sitofp %convert_element_type3A_9 : vector<512x64xi32> to vector<512x64xf32>
    %concatenate3A = tpu.concatenate %convert_element_type3A_4, %convert_element_type3A_10 in 1 : vector<512x64xf32>, vector<512x64xf32> -> vector<512x128xf32>
    %get3A_11 = arith.constant 0 : index
    %get3A_12 = arith.constant 0 : index
    %get3A_13 = vector.load %arg2[%get3A_11, %get3A_12] : memref<128x768xf32, #tpu.memory_space<vmem>>, vector<128x768xf32>
    %dot_general3A = arith.constant dense<0.000000e+00> : vector<512x768xf32>
    %dot_general3A_14 = tpu.matmul %concatenate3A, %get3A_13, %dot_general3A {dimension_numbers = #tpu.dot_dimension_numbers<[1], [0], [0], [1], [0, 0, 1, 1], [], []>, transpose_lhs_hint = false} : vector<512x128xf32>, vector<128x768xf32>, vector<512x768xf32> -> vector<512x768xf32>
    %swap3A = arith.constant 0 : index
    %swap3A_15 = arith.constant 0 : index
    %swap3A_16 = vector.load %arg4[%swap3A, %swap3A_15] : memref<512x768xf32, #tpu.memory_space<vmem>>, vector<512x768xf32>
    tpu.vector_store %arg4[%swap3A, %swap3A_15], %dot_general3A_14 {strides = array<i32>} : memref<512x768xf32, #tpu.memory_space<vmem>>, vector<512x768xf32>,
    return
  }
  func.func @transform_0(%arg0: i32) -> i32 {
    %add3A = arith.constant 36 : i32
    %add3A_0 = arith.addi %add3A, %arg0 : i32
    %c0_i32 = arith.constant 0 : i32
    return %add3A_0 : i32
  }
  func.func @transform_1(%arg0: i32) -> (i32, i32) {
    %c0_i32 = arith.constant 0 : i32
    %c0_i32_0 = arith.constant 0 : i32
    %c0_i32_1 = arith.constant 0 : i32
    return %c0_i32, %c0_i32_0 : i32, i32
  }
  func.func @transform_3(%arg0: i32) -> (i32, i32) {
    %add3A = arith.constant 36 : i32
    %add3A_0 = arith.addi %add3A, %arg0 : i32
    %c0_i32 = arith.constant 0 : i32
    %c0_i32_1 = arith.constant 0 : i32
    return %add3A_0, %c0_i32 : i32, i32
  }
}

module attributes {stable_mosaic.version = 14 : i64} {
  func.func @_sum_table_tc(%arg0: memref<64x768xf32, #tpu.memory_space<vmem>>, %arg1: memref<64x768xf32, #tpu.memory_space<vmem>>, %arg2: memref<64x64x768xf32, #tpu.memory_space<vmem>>, %arg3: memref<128x768xf32, #tpu.memory_space<vmem>>) attributes {dimension_semantics = [], scalar_prefetch = 0 : i64, scratch_operands = 0 : i64, tpu.core_type = #tpu.core_type<tc>} {
    %get3A = arith.constant 0 : index
    %get3A_0 = arith.constant 0 : index
    %get3A_1 = vector.load %arg0[%get3A, %get3A_0] : memref<64x768xf32, #tpu.memory_space<vmem>>, vector<64x768xf32>
    %get3A_2 = arith.constant 0 : index
    %get3A_3 = arith.constant 0 : index
    %get3A_4 = vector.load %arg1[%get3A_2, %get3A_3] : memref<64x768xf32, #tpu.memory_space<vmem>>, vector<64x768xf32>
    %broadcast_in_dim3A = vector.shape_cast %get3A_1 : vector<64x768xf32> to vector<64x1x768xf32>
    %broadcast_in_dim3A_5 = vector.shape_cast %get3A_4 : vector<64x768xf32> to vector<1x64x768xf32>
    %add3A = vector.broadcast %broadcast_in_dim3A : vector<64x1x768xf32> to vector<64x64x768xf32>
    %add3A_6 = vector.broadcast %broadcast_in_dim3A_5 : vector<1x64x768xf32> to vector<64x64x768xf32>
    %add3A_7 = arith.addf %add3A, %add3A_6 : vector<64x64x768xf32>
    %swap3A = arith.constant 0 : index
    %swap3A_8 = arith.constant 0 : index
    %swap3A_9 = arith.constant 0 : index
    %swap3A_10 = vector.load %arg2[%swap3A, %swap3A_8, %swap3A_9] : memref<64x64x768xf32, #tpu.memory_space<vmem>>, vector<64x64x768xf32>
    tpu.vector_store %arg2[%swap3A, %swap3A_8, %swap3A_9], %add3A_7 {strides = array<i32>} : memref<64x64x768xf32, #tpu.memory_space<vmem>>, vector<64x64x768xf32>,
    %concatenate3A = tpu.concatenate %get3A_1, %get3A_4 in 0 : vector<64x768xf32>, vector<64x768xf32> -> vector<128x768xf32>
    %swap3A_11 = arith.constant 0 : index
    %swap3A_12 = arith.constant 0 : index
    %swap3A_13 = vector.load %arg3[%swap3A_11, %swap3A_12] : memref<128x768xf32, #tpu.memory_space<vmem>>, vector<128x768xf32>
    tpu.vector_store %arg3[%swap3A_11, %swap3A_12], %concatenate3A {strides = array<i32>} : memref<128x768xf32, #tpu.memory_space<vmem>>, vector<128x768xf32>,
    return
  }
}

</mosaic_0001>

<sc_bundles>
// kernel: kernel.5.cloned.1.call-start
scs
__scs_entry_jumppad:
0x0: {  	(pc) =	sbr.rel $0x88, $3  }
0x1: {  	(tag) =	ssettag $0x0;
	lr =	simm.s32 $0x1  }
0x2: {  	[smem:$0x3F9E] =	sst lr;
	_ =	strace $0xD0000000  }
0x3: {  	_ = 	snop  }
0x4: {  	_ = 	snop  }
0x5: {  	_ = 	snop  }
0x6: {  	_ = 	snop  }
0x7: {  	_ = 	snop  }
__scs_overlays_trampoline_lowered:
0x8: {  	[smem:$0x3FAD] =	sst s0  }
0x9: {  	[smem:$0x3FAE] =	sst s1  }
0xa: {  	[smem:$0x3FAF] =	sst s2  }
0xb: {  	[smem:$0x3FB0] =	sst s3  }
0xc: {  	[smem:$0x3FB1] =	sst s4  }
0xd: {  	[smem:$0x3FB2] =	sst s5  }
0xe: {  	[smem:$0x3FB3] =	sst s6  }
0xf: {  	[smem:$0x3FB4] =	sst s7  }
0x10: {  	[smem:$0x3FB5] =	sst s8  }
0x11: {  	[smem:$0x3FB6] =	sst s9;
	s0 =	simm.s32 @!p0 $0x0  }
0x12: {  	s1 =	sld [smem:$0x3F9C];
	s0 =	simm.s32 @p0 $0x1  }
0x13: {  	[smem:$0x3FB7] =	sst s0;
	s0 =	simm.s32 @!p1 $0x0  }
0x14: {  	s2 =	sld [smem:$0x3F9B];
	s0 =	simm.s32 @p1 $0x1  }
0x15: {  	[smem:$0x3FB8] =	sst s0;
	s0 =	simm.s32 @!p2 $0x0  }
0x16: {  	s3 =	sld [smem:$0x3FDB];
	s0 =	simm.s32 @p2 $0x1  }
0x17: {  	s4 =	simm.s32 $0x1BF5;
	[smem:$0x3FBA] =	sst s0  }
0x18: {  	s0 =	sld [smem:$0x3F9D];
	_ =	swait.ge [sflag:s4], $0x0  }
0x19: {  	s7 =	sld [smem:$0x3F9E]  }
0x1a: {  	s8 =	sadd.s32 $0xFFFFE003, lr  }
0x1b: {  	s9 =	sadd.s32 $0xFFFFFEF7, lr;
	s5 =	simm.s32 $0xFFFFFFFF;
	p2 =	slt.u32 s8, $0xFFFFF086  }
0x1c: {  	p1 =	slt.u32 s9, $0xF7A;
	s5 =	simm.s32 @!p2 $0x0  }
0x1d: {  	s5 =	simm.s32 @p1 $0x1;
	p0 =	seq.s32 s7, s2  }
0x1e: {  	s7 =	smul.u32 @!p0 $0xF7A, s2;
	p2 =	seq.s32 @!p0 s5, $0x0  }
0x1f: {  	s9 =	smul.u32 $0xF7A, s1;
	s8 =	simm.s32 @!p0 $0x1BF5;
	p2 =	por !p2, p0  }
0x20: {  	[sflag:s8] =	ssyncset.s32 @!p0 $0xFFFFF086;
	s6 =	sadd.s32 @!p0 s3, s7;
	s7 =	simm.s32 @!p0 $0x108  }
0x21: {  	s3 =	sadd.s32 s3, s9;
	s6 =	sadd.s32 @!p0 $0x88, s6;
	s7 =	simm.s32 @p2 $0x1082  }
0x22: {  	[simem:s7], [sflag:s8] =	dma.local @!p0 [hbm:s6], $0xF7A  }
0x23: {  	s9 =	sor.u32 $0xD0000000, s2;
	s6 =	simm.s32 $0x108;
	_ =	swait.ge @!p0 [sflag:s8], $0x0  }
0x24: {  	s3 =	sadd.s32 $0x88, s3;
	s6 =	simm.s32 @!p1 $0x1082;
	[sflag:s4] =	ssyncset.s32 $0xFFFFF086  }
0x25: {  	[simem:s6], [sflag:s4] =	dma.local [hbm:s3], $0xF7A  }
0x26: {  	[smem:$0x3F9E] =	sst s1;
	(tag) =	ssettag s2;
	_ =	strace s9  }
0x27: {  	s1 =	sld [smem:$0x3FAE]  }
0x28: {  	s2 =	sld [smem:$0x3FAF]  }
0x29: {  	s4 =	sld [smem:$0x3FB1]  }
0x2a: {  	p0 =	seq.s32 s5, $0x0;
	s5 =	sld [smem:$0x3FB2]  }
0x2b: {  	s6 =	sld [smem:$0x3FB3]  }
0x2c: {  	s7 =	sld [smem:$0x3FB4]  }
0x2d: {  	s3 =	simm.s32 $0x108;
	s8 =	sld [smem:$0x3FB5]  }
0x2e: {  	s3 =	simm.s32 @!p0 $0x1082;
	s9 =	sld [smem:$0x3FB6]  }
0x2f: {  	lr =	sadd.s32 s0, s3;
	s0 =	sld [smem:$0x3FAD]  }
0x30: {  	s3 =	sld [smem:$0x3FB0]  }
0x31: {  	[smem:$0x3FB9] =	sst s10  }
0x32: {  	s10 =	sld [smem:$0x3FB7];
	_ =	sdelay $0x3  }
0x33: {  	p0 =	seq.s32 s10, $0x1;
	s10 =	sld [smem:$0x3FB9];
	_ =	sdelay $0x3  }
0x34: {  	[smem:$0x3FB9] =	sst s10  }
0x35: {  	s10 =	sld [smem:$0x3FB8];
	_ =	sdelay $0x3  }
0x36: {  	p1 =	seq.s32 s10, $0x1;
	s10 =	sld [smem:$0x3FB9];
	_ =	sdelay $0x3  }
0x37: {  	[smem:$0x3FB9] =	sst s10  }
0x38: {  	s10 =	sld [smem:$0x3FBA]  }
0x39: {  	_ = 	snop;
	(pc) =	sbr.ind lr, $3  }
0x3a: {  	_ = 	snop  }
0x3b: {  	_ = 	snop  }
0x3c: {  	p2 =	seq.s32 s10, $0x1;
	s10 =	sld [smem:$0x3FB9]  }
0x3d: {  	_ =	shalt  }
0x3e: {  	_ =	shalt  }
0x3f: {  	_ =	shalt  }
0x40: {  	_ =	shalt  }
0x41: {  	_ =	shalt  }
0x42: {  	_ =	shalt  }
0x43: {  	_ =	shalt  }
0x44: {  	_ =	shalt  }
0x45: {  	_ =	shalt  }
0x46: {  	_ =	shalt  }
0x47: {  	_ =	shalt  }
0x48: {  	_ =	shalt  }
0x49: {  	_ =	shalt  }
0x4a: {  	_ =	shalt  }
0x4b: {  	_ =	shalt  }
0x4c: {  	_ =	shalt  }
0x4d: {  	_ =	shalt  }
0x4e: {  	_ =	shalt  }
0x4f: {  	_ =	shalt  }
0x50: {  	_ =	shalt  }
0x51: {  	_ =	shalt  }
0x52: {  	_ =	shalt  }
0x53: {  	_ =	shalt  }
0x54: {  	_ =	shalt  }
0x55: {  	_ =	shalt  }
0x56: {  	_ =	shalt  }
0x57: {  	_ =	shalt  }
0x58: {  	_ =	shalt  }
0x59: {  	_ =	shalt  }
0x5a: {  	_ =	shalt  }
0x5b: {  	_ =	shalt  }
0x5c: {  	_ =	shalt  }
0x5d: {  	_ =	shalt  }
0x5e: {  	_ =	shalt  }
0x5f: {  	_ =	shalt  }
0x60: {  	_ =	shalt  }
0x61: {  	_ =	shalt  }
0x62: {  	_ =	shalt  }
0x63: {  	_ =	shalt  }
0x64: {  	_ =	shalt  }
0x65: {  	_ =	shalt  }
0x66: {  	_ =	shalt  }
0x67: {  	_ =	shalt  }
0x68: {  	_ =	shalt  }
0x69: {  	_ =	shalt  }
0x6a: {  	_ =	shalt  }
0x6b: {  	_ =	shalt  }
0x6c: {  	_ =	shalt  }
0x6d: {  	_ =	shalt  }
0x6e: {  	_ =	shalt  }
0x6f: {  	_ =	shalt  }
0x70: {  	_ =	shalt  }
0x71: {  	_ =	shalt  }
0x72: {  	_ =	shalt  }
0x73: {  	_ =	shalt  }
0x74: {  	_ =	shalt  }
0x75: {  	_ =	shalt  }
0x76: {  	_ =	shalt  }
0x77: {  	_ =	shalt  }
0x78: {  	_ =	shalt  }
0x79: {  	_ =	shalt  }
0x7a: {  	_ =	shalt  }
0x7b: {  	_ =	shalt  }
0x7c: {  	_ =	shalt  }
0x7d: {  	_ =	shalt  }
0x7e: {  	_ =	shalt  }
0x7f: {  	_ =	shalt  }
0x80: {  	_ =	shalt  }
0x81: {  	_ =	shalt  }
0x82: {  	_ =	shalt  }
0x83: {  	_ =	shalt  }
0x84: {  	_ =	shalt  }
0x85: {  	_ =	shalt  }
0x86: {  	_ =	shalt  }
0x87: {  	_ =	shalt  }
.Lfunc_end0:
.L_simem_size_0:
called_computation_lowered:
.L_overlay_start_0:
0x88: {  	s2 =	sld [smem:$0x3FD9]  }
0x89: {  	s3 =	sld [smem:$0x3FFE];
	_ =	sdelay $0x1  }
0x8a: {  	s1 =	srdreg.scid  }
0x8b: {  	s0 =	sand.u32 $0x1, s1  }
0x8c: {  	s17 =	sshll.u32 s0, $0xA;
	s2 =	sadd.s32 s3, s2  }
0x8d: {  	s2 =	sadd.s32 s2, s17  }
0x8e: {  	[smem:$0x3FC5] =	sst s2  }
0x8f: {  	_ = 	snop  }
0x90: {  	s2 =	sld [smem:$0x3FD0];
	(tm) =	ssettm $0x1  }
0x91: {  	s18 =	sld [smem:$0x3FFB];
	_ =	sdelay $0x3  }
0x92: {  	_ =	strace s18  }
0x93: {  	s3 =	sld [smem:$0x3FFC];
	_ =	sdelay $0x3  }
0x94: {  	_ =	strace s3  }
0x95: {  	s3 =	sld [smem:$0x3FFD];
	_ =	sdelay $0x3  }
0x96: {  	_ =	strace s3  }
0x97: {  	_ =	strace $0x8FFFFFFF  }
0x98: {  	s19 =	sld [smem:$0x3FDB];
	_ =	sdelay $0x1  }
0x99: {  	s4 =	simm.s32 $_scs_section_size  }
0x9a: {  	s5 =	simm.s32 $_size__tile_overlayer_lowered;
	s6 =	simm.s32 $_tile_overlayer_lowered  }
0x9b: {  	s22 =	simm.s32 $0x1BFF;
	s21 =	sshll.u32 s6, $0x1;
	s3 =	sadd.s32 s4, s19  }
0x9c: {  	s7 =	simm.s32 $0x0;
	s20 =	sshll.u32 s5, $0x1;
	s5 =	sadd.s32 s21, s3  }
0x9d: {  	[timem:s7], [sflag:s22] =	dma.local [hbm:s5], s20  }
0x9e: {  	_ =	swait.ge [sflag:s22], s20  }
0x9f: {  	s4 =	ssub.s32 $0x0, s20;
	[sflag:s22] =	ssyncset.done $0x0  }
0xa0: {  	[sflag:s22] =	ssyncadd.s32 s4;
	_ =	sdelay $0x1  }
0xa1: {  	s23 =	simm.s32 $0x1B8B  }
0xa2: {  	_ =	swait.ge [sflag:s23], $0x1  }
0xa3: {  	[sflag:s23] =	ssyncset.done $0x0  }
0xa4: {  	s25 =	simm.s32 $0x1B8E;
	s24 =	sld [smem:$0x3FFE];
	[sflag:s23] =	ssyncadd.s32 $0xFFFFFFFF  }
0xa5: {  	s26 =	simm.s32 $execute0_lowered;
	[smem:$0x3FD2] =	sst s25  }
0xa6: {  	s5 =	sshll.u32 s26, $0x1;
	_ =	strace $0x80000046;
	[dreg:$0x1] =	wrdreg $0xFFFFFFFF  }
0xa7: {  	s28 =	simm.s32 $_size_execute0_lowered;
	s3 =	sadd.s32 s3, s5;
	[dreg:$0x0] =	wrdreg $0x0  }
0xa8: {  	s5 =	sshll.u32 s28, $0x1;
	[dreg:$0x2] =	wrdreg s3  }
0xa9: {  	[dreg:$0x3] =	wrdreg s5  }
0xaa: {  	[dreg:$0x4] =	wrdreg $0xC0  }
0xab: {  	_ =	task [dreg:s7], $0x5FFFF  }
0xac: {  	[dreg:$0x1] =	wrdreg $0xFFFFFFFF  }
0xad: {  	[dreg:$0x0] =	wrdreg $0x60  }
0xae: {  	[dreg:$0x2] =	wrdreg s24  }
0xaf: {  	[dreg:$0x3] =	wrdreg s2  }
0xb0: {  	[dreg:$0x4] =	wrdreg $0x9  }
0xb1: {  	_ =	task.clear_ibuf [dreg:s7], $0x5FFFF;
	_ =	strace $0x90000046  }
0xb2: {  	s29 =	simm.s32 $0x9;
	_ =	strace $0x80000048  }
0xb3: {  	_ =	swait.ge [sflag:s29], $0x1  }
0xb4: {  	[sflag:s29] =	ssyncadd.s32 $0xFFFFFFFF  }
0xb5: {  	_ =	strace $0x90000048  }
0xb6: {  	_ =	sfence  }
0xb7: {  	s30 =	sld [smem:$0x0];
	_ =	sdelay $0x2  }
0xb8: {  	s31 =	sshll.u32 s1, $0xD;
	s1 =	sshrl.u32 s1, $0x2  }
0xb9: {  	s3 =	sand.u32 $0x4000, s31;
	s1 =	sadd.s32 s1, s30  }
0xba: {  	s0 =	sor.u32 s3, s0;
	s1 =	sshll.u32 s1, $0x11  }
0xbb: {  	s0 =	sor.u32 s1, s0  }
0xbc: {  	s0 =	sadd.s32 $0x8F2B, s0  }
0xbd: {  	[sflag:s0] =	ssyncadd.remote.s32 $0x1  }
0xbe: {  	_ =	sfence.sel $0xFFFF  }
0xbf: {  	[dreg:$0x0] =	wrdreg $0xFFFFFFFF;
	(pc) =	sbr.abs _section_cstart, $3  }
0xc0: {  	[dreg:$0x1] =	wrdreg $0xFFFFFFFF  }
0xc1: {  	_ =	task.clear_ibuf [dreg:s7], $0x2FFFF;
	_ =	strace $0x9FFFFFFF  }
0xc2: {  	(tm) =	ssettm $0x7FFFFFFF  }
0xc3: {  	_ =	shalt  }
tec
execute0_lowered:
.L_overlay_start_1:
0x0: {  	(tag) =	ssettag $0x1  }
0x1: {  	s0 =	srdreg.scid  }
0x2: {  	s3 =	stileid.u32;
	s4 =	rddreg [dreg:$0x0]  }
0x3: {  	s7 =	rddreg [dreg:$0x1];
	s2 =	simm.s32 $0x0;
	s12 =	simm.s32 $0x280  }
0x4: {  	s31 =	simm.s32 $0x9280;
	s11 =	simm.s32 $0x16280;
	s13 =	simm.s32 $0x16A80  }
0x5: {  	s14 =	simm.s32 $0x17280;
	s15 =	simm.s32 $0x17A80;
	s16 =	simm.s32 $0x18280  }
0x6: {  	s17 =	simm.s32 $0x18A80;
	s18 =	simm.s32 $0x19280;
	s19 =	simm.s32 $0x19A80  }
0x7: {  	s20 =	simm.s32 $0x1A280;
	s21 =	simm.s32 $0x1AA80;
	s22 =	simm.s32 $0x2  }
0x8: {  	s28 =	simm.s32 $0x5;
	s30 =	simm.s32 $0x0;
	s0 =	sand.u32 $0x1, s0  }
0x9: {  	s1 =	sshll.u32 s3, $0x1;
	s5 =	smul.u32 $0x480, s3;
	[smem:$0x7FF] =	sst s2  }
0xa: {  	s1 =	sor.u32 s0, s1;
	s6 =	smul.u32 $0x240, s0;
	s0 =	ssub.s32 $0x2, s0  }
0xb: {  	s3 =	sadd.s32 $0x1C00, s4;
	s1 =	smul.u32 $0x240, s1;
	s8 =	sshrl.u32 s0, $0x1  }
0xc: {  	_ =	strace $0x80000047;
	s5 =	sadd.s32 s6, s5;
	s0 =	ssub.s32 s0, s8  }
0xd: {  	s1 =	sshrl.u32 s1, $0x3;
	s6 =	sshrl.u32 s5, $0x3;
	s23 =	sadd.s32 $0x60, s5  }
0xe: {  	s5 =	sor.u32 $0x30, s5;
	s0 =	smax.u32 s0, $0x1;
	s1 =	sadd.s32 s1, s4  }
0xf: {  	s9 =	smul.u32 $0x300, s6;
	s24 =	sshrl.u32 s23, $0x3;
	s26 =	sshrl.u32 s5, $0x3  }
0x10: {  	s5 =	sadd.s32 $0x1D00, s4;
	s6 =	sadd.s32 $0x1E00, s4;
	[dreg:$0x4] =	wrdreg s0  }
.Ltmp0:
0x11: {  	s0 =	simm.s32 $0x14A80;
	s4 =	simm.s32 $0x15280;
	(pc) =	sbr.rel .LBB2_1-.Ltmp0, $4  }
0x12: {  	s23 =	simm.s32 $0x4;
	s1 =	sadd.s32 $0xA00, s1;
	s25 =	smul.u32 $0x300, s24  }
0x13: {  	v2 =	vlaneseq.u32;
	s29 =	smul.u32 $0x300, s26;
	s26 =	simm.s32 $0x12280;
	s24 =	simm.s32 $0x3  }
0x14: {  	vm0 =	vmmov $0xffff;
	v1 =	vshrl.u32 v2, $0x3;
	[dreg:$0x3] =	wrdreg s1;
	s8 =	sadd.s32 s9, s7;
	s9 =	sadd.s32 s25, s7  }
0x15: {  	v0 =	vand.u32 $0x7, v2;
	v2 =	vor.u32 $0x8, v2;
	v1 =	vmul.u32 $0x8, v1;
	s10 =	sadd.s32 s29, s7;
	s25 =	simm.s32 $0x1;
	s7 =	simm.s32 $0x15A80  }
.LBB2_6:
0x16: {  	s29 =	simm.s32 $0x6  }
0x17: {  	_ =	swait.ge [sflag:s29], $0x9000  }
0x18: {  	s30 =	rddreg [dreg:$0x5]  }
0x19: {  	s1 =	rddreg [dreg:$0x4];
	s30 =	sadd.s32 $0x1, s30  }
0x1a: {  	p0 =	sne.s32 s30, s1  }
.Ltmp1:
0x1b: {  	_ = 	snop;
	(pc) =	sbr.rel @!p0 .LBB2_7-.Ltmp1, $3  }
0x1c: {  	_ =	sdelay $0x1  }
0x1d: {  	[sflag:s29] =	ssyncset.done $0x0  }
0x1e: {  	[sflag:s29] =	ssyncadd.s32 $0xFFFF7000  }
.LBB2_1:
0x1f: {  	s1 =	rddreg [dreg:$0x3]  }
0x20: {  	[tilespmem:s2], [sflag:$0x7] =	stream.linear.gather [hbm4b:s1+s2], $0x240, $0x38;
	[tilespmem:$0x1B280] =	vst v63  }
0x21: {  	[dreg:$0x5] =	wrdreg s30;
	s1 =	simm.s32 $0x7  }
0x22: {  	_ =	swait.ge [sflag:s1], $0x240  }
0x23: {  	[sflag:s1] =	ssyncset.done $0x0  }
0x24: {  	[sflag:s1] =	ssyncadd.s32 $0xFFFFFDC0  }
0x25: {  	v3 =	vld [tilespmem:$0x0];
	_ =	sdelay $0x4  }
0x26: {  	v4 =	vshrl.u32 v3, $0x3  }
0x27: {  	v4 =	vmul.u32 $0x30, v4  }
0x28: {  	v3 =	vand.u32 $0x7, v3  }
0x29: {  	v3 =	vor.u32 v3, v4  }
0x2a: {  	v4 =	vperm.xlane v3, v0;
	_ =	sdelay $0x1  }
0x2b: {  	v4 =	vadd.s32 v1, v4;
	_ =	sdelay $0x3  }
0x2c: {  	v3 =	vperm.xlane v3, v2  }
0x2d: {  	[tilespmem:s12], [sflag:$0x1] =	stream.indirect_vreg.gather [hbm4b:s3+s2], $0x80, v4, vm0, $0xb8;
	[tilespmem:$0x1B280] =	vst v63  }
0x2e: {  	s1 =	simm.s32 $0xA80;
	v3 =	vadd.s32 v1, v3  }
0x2f: {  	[tilespmem:s1], [sflag:$0x1] =	stream.indirect_vreg.gather [hbm4b:s5+s2], $0x80, v4, vm0, $0xb8;
	[tilespmem:$0x1B280] =	vst v63  }
0x30: {  	s1 =	simm.s32 $0x1280  }
0x31: {  	[tilespmem:s1], [sflag:$0x1] =	stream.indirect_vreg.gather [hbm4b:s6+s2], $0x80, v4, vm0, $0xb8;
	[tilespmem:$0x1B280] =	vst v63  }
0x32: {  	s1 =	simm.s32 $0x1A80  }
0x33: {  	[tilespmem:s1], [sflag:$0x1] =	stream.indirect_vreg.gather [hbm4b:s3+s2], $0x80, v3, vm0, $0xb8;
	[tilespmem:$0x1B280] =	vst v63  }
0x34: {  	s1 =	simm.s32 $0x2280  }
0x35: {  	[tilespmem:s1], [sflag:$0x1] =	stream.indirect_vreg.gather [hbm4b:s5+s2], $0x80, v3, vm0, $0xb8;
	[tilespmem:$0x1B280] =	vst v63  }
0x36: {  	s1 =	simm.s32 $0x2A80  }
0x37: {  	[tilespmem:s1], [sflag:$0x1] =	stream.indirect_vreg.gather [hbm4b:s6+s2], $0x80, v3, vm0, $0xb8;
	[tilespmem:$0x1B280] =	vst v63  }
0x38: {  	v3 =	vld [tilespmem:$0x10];
	_ =	sdelay $0x4  }
0x39: {  	v59 =	vshrl.u32 v3, $0x3  }
0x3a: {  	v4 =	vmul.u32 $0x30, v59  }
0x3b: {  	v3 =	vand.u32 $0x7, v3  }
0x3c: {  	v3 =	vor.u32 v3, v4  }
0x3d: {  	v4 =	vperm.xlane v3, v0;
	_ =	sdelay $0x1  }
0x3e: {  	v4 =	vadd.s32 v1, v4;
	_ =	sdelay $0x3  }
0x3f: {  	s1 =	simm.s32 $0x3280;
	v3 =	vperm.xlane v3, v2  }
0x40: {  	[tilespmem:s1], [sflag:$0x1] =	stream.indirect_vreg.gather [hbm4b:s3+s2], $0x80, v4, vm0, $0xb8;
	[tilespmem:$0x1B280] =	vst v63  }
0x41: {  	v3 =	vadd.s32 v1, v3;
	s1 =	simm.s32 $0x3A80  }
0x42: {  	[tilespmem:s1], [sflag:$0x1] =	stream.indirect_vreg.gather [hbm4b:s5+s2], $0x80, v4, vm0, $0xb8;
	[tilespmem:$0x1B280] =	vst v63  }
0x43: {  	s1 =	simm.s32 $0x4280  }
0x44: {  	[tilespmem:s1], [sflag:$0x1] =	stream.indirect_vreg.gather [hbm4b:s6+s2], $0x80, v4, vm0, $0xb8;
	[tilespmem:$0x1B280] =	vst v63  }
0x45: {  	s1 =	simm.s32 $0x4A80  }
0x46: {  	[tilespmem:s1], [sflag:$0x1] =	stream.indirect_vreg.gather [hbm4b:s3+s2], $0x80, v3, vm0, $0xb8;
	[tilespmem:$0x1B280] =	vst v63  }
0x47: {  	s1 =	simm.s32 $0x5280  }
0x48: {  	[tilespmem:s1], [sflag:$0x1] =	stream.indirect_vreg.gather [hbm4b:s5+s2], $0x80, v3, vm0, $0xb8;
	[tilespmem:$0x1B280] =	vst v63  }
0x49: {  	s1 =	simm.s32 $0x5A80  }
0x4a: {  	[tilespmem:s1], [sflag:$0x1] =	stream.indirect_vreg.gather [hbm4b:s6+s2], $0x80, v3, vm0, $0xb8;
	[tilespmem:$0x1B280] =	vst v63  }
0x4b: {  	v3 =	vld [tilespmem:$0x20];
	_ =	sdelay $0x4  }
0x4c: {  	v60 =	vshrl.u32 v3, $0x3  }
0x4d: {  	v4 =	vmul.u32 $0x30, v60  }
0x4e: {  	v3 =	vand.u32 $0x7, v3  }
0x4f: {  	v3 =	vor.u32 v3, v4  }
0x50: {  	v4 =	vperm.xlane v3, v0;
	_ =	sdelay $0x1  }
0x51: {  	v4 =	vadd.s32 v1, v4;
	_ =	sdelay $0x3  }
0x52: {  	s1 =	simm.s32 $0x6280;
	v3 =	vperm.xlane v3, v2  }
0x53: {  	[tilespmem:s1], [sflag:$0x1] =	stream.indirect_vreg.gather [hbm4b:s3+s2], $0x80, v4, vm0, $0xb8;
	[tilespmem:$0x1B280] =	vst v63  }
0x54: {  	v3 =	vadd.s32 v1, v3;
	s1 =	simm.s32 $0x6A80  }
0x55: {  	[tilespmem:s1], [sflag:$0x1] =	stream.indirect_vreg.gather [hbm4b:s5+s2], $0x80, v4, vm0, $0xb8;
	[tilespmem:$0x1B280] =	vst v63  }
0x56: {  	s1 =	simm.s32 $0x7280  }
0x57: {  	[tilespmem:s1], [sflag:$0x1] =	stream.indirect_vreg.gather [hbm4b:s6+s2], $0x80, v4, vm0, $0xb8;
	[tilespmem:$0x1B280] =	vst v63  }
0x58: {  	s1 =	simm.s32 $0x7A80  }
0x59: {  	[tilespmem:s1], [sflag:$0x1] =	stream.indirect_vreg.gather [hbm4b:s3+s2], $0x80, v3, vm0, $0xb8;
	[tilespmem:$0x1B280] =	vst v63  }
0x5a: {  	s1 =	simm.s32 $0x8280  }
0x5b: {  	[tilespmem:s1], [sflag:$0x1] =	stream.indirect_vreg.gather [hbm4b:s5+s2], $0x80, v3, vm0, $0xb8;
	[tilespmem:$0x1B280] =	vst v63  }
0x5c: {  	s1 =	simm.s32 $0x8A80  }
0x5d: {  	[tilespmem:s1], [sflag:$0x1] =	stream.indirect_vreg.gather [hbm4b:s6+s2], $0x80, v3, vm0, $0xb8;
	[tilespmem:$0x1B280] =	vst v63  }
0x5e: {  	v3 =	vld [tilespmem:$0x30];
	_ =	sdelay $0x4  }
0x5f: {  	v61 =	vshrl.u32 v3, $0x3  }
0x60: {  	v4 =	vmul.u32 $0x30, v61  }
0x61: {  	v3 =	vand.u32 $0x7, v3  }
0x62: {  	v3 =	vor.u32 v3, v4  }
0x63: {  	v4 =	vperm.xlane v3, v0;
	_ =	sdelay $0x1  }
0x64: {  	v4 =	vadd.s32 v1, v4;
	_ =	sdelay $0x3  }
0x65: {  	v3 =	vperm.xlane v3, v2  }
0x66: {  	[tilespmem:s31], [sflag:$0x2] =	stream.indirect_vreg.gather [hbm4b:s3+s2], $0x80, v4, vm0, $0xb8;
	[tilespmem:$0x1B280] =	vst v63  }
0x67: {  	s1 =	simm.s32 $0x9A80;
	v3 =	vadd.s32 v1, v3  }
0x68: {  	[tilespmem:s1], [sflag:$0x2] =	stream.indirect_vreg.gather [hbm4b:s5+s2], $0x80, v4, vm0, $0xb8;
	[tilespmem:$0x1B280] =	vst v63  }
0x69: {  	s1 =	simm.s32 $0xA280  }
0x6a: {  	[tilespmem:s1], [sflag:$0x2] =	stream.indirect_vreg.gather [hbm4b:s6+s2], $0x80, v4, vm0, $0xb8;
	[tilespmem:$0x1B280] =	vst v63  }
0x6b: {  	s1 =	simm.s32 $0xAA80  }
0x6c: {  	[tilespmem:s1], [sflag:$0x2] =	stream.indirect_vreg.gather [hbm4b:s3+s2], $0x80, v3, vm0, $0xb8;
	[tilespmem:$0x1B280] =	vst v63  }
0x6d: {  	s1 =	simm.s32 $0xB280  }
0x6e: {  	[tilespmem:s1], [sflag:$0x2] =	stream.indirect_vreg.gather [hbm4b:s5+s2], $0x80, v3, vm0, $0xb8;
	[tilespmem:$0x1B280] =	vst v63  }
0x6f: {  	s1 =	simm.s32 $0xBA80  }
0x70: {  	[tilespmem:s1], [sflag:$0x2] =	stream.indirect_vreg.gather [hbm4b:s6+s2], $0x80, v3, vm0, $0xb8;
	[tilespmem:$0x1B280] =	vst v63  }
0x71: {  	v3 =	vld [tilespmem:$0x40];
	_ =	sdelay $0x4  }
0x72: {  	v62 =	vshrl.u32 v3, $0x3  }
0x73: {  	v4 =	vmul.u32 $0x30, v62  }
0x74: {  	v3 =	vand.u32 $0x7, v3  }
0x75: {  	v3 =	vor.u32 v3, v4  }
0x76: {  	v4 =	vperm.xlane v3, v0;
	_ =	sdelay $0x1  }
0x77: {  	v4 =	vadd.s32 v1, v4;
	_ =	sdelay $0x3  }
0x78: {  	s1 =	simm.s32 $0xC280;
	v3 =	vperm.xlane v3, v2  }
0x79: {  	[tilespmem:s1], [sflag:$0x2] =	stream.indirect_vreg.gather [hbm4b:s3+s2], $0x80, v4, vm0, $0xb8;
	[tilespmem:$0x1B280] =	vst v63  }
0x7a: {  	v3 =	vadd.s32 v1, v3;
	s1 =	simm.s32 $0xCA80  }
0x7b: {  	[tilespmem:s1], [sflag:$0x2] =	stream.indirect_vreg.gather [hbm4b:s5+s2], $0x80, v4, vm0, $0xb8;
	[tilespmem:$0x1B280] =	vst v63  }
0x7c: {  	s1 =	simm.s32 $0xD280  }
0x7d: {  	[tilespmem:s1], [sflag:$0x2] =	stream.indirect_vreg.gather [hbm4b:s6+s2], $0x80, v4, vm0, $0xb8;
	[tilespmem:$0x1B280] =	vst v63  }
0x7e: {  	s1 =	simm.s32 $0xDA80  }
0x7f: {  	[tilespmem:s1], [sflag:$0x2] =	stream.indirect_vreg.gather [hbm4b:s3+s2], $0x80, v3, vm0, $0xb8;
	[tilespmem:$0x1B280] =	vst v63  }
0x80: {  	s1 =	simm.s32 $0xE280  }
0x81: {  	[tilespmem:s1], [sflag:$0x2] =	stream.indirect_vreg.gather [hbm4b:s5+s2], $0x80, v3, vm0, $0xb8;
	[tilespmem:$0x1B280] =	vst v63  }
0x82: {  	s1 =	simm.s32 $0xEA80  }
0x83: {  	[tilespmem:s1], [sflag:$0x2] =	stream.indirect_vreg.gather [hbm4b:s6+s2], $0x80, v3, vm0, $0xb8;
	[tilespmem:$0x1B280] =	vst v63  }
0x84: {  	v3 =	vld [tilespmem:$0x50];
	_ =	sdelay $0x4  }
0x85: {  	v63 =	vshrl.u32 v3, $0x3  }
0x86: {  	v4 =	vmul.u32 $0x30, v63  }
0x87: {  	v3 =	vand.u32 $0x7, v3  }
0x88: {  	v3 =	vor.u32 v3, v4  }
0x89: {  	v4 =	vperm.xlane v3, v0;
	_ =	sdelay $0x1  }
0x8a: {  	v4 =	vadd.s32 v1, v4;
	_ =	sdelay $0x3  }
0x8b: {  	s1 =	simm.s32 $0xF280;
	v3 =	vperm.xlane v3, v2  }
0x8c: {  	[tilespmem:s1], [sflag:$0x2] =	stream.indirect_vreg.gather [hbm4b:s3+s2], $0x80, v4, vm0, $0xb8;
	[tilespmem:$0x1B280] =	vst v63  }
0x8d: {  	v3 =	vadd.s32 v1, v3;
	s1 =	simm.s32 $0xFA80  }
0x8e: {  	[tilespmem:s1], [sflag:$0x2] =	stream.indirect_vreg.gather [hbm4b:s5+s2], $0x80, v4, vm0, $0xb8;
	[tilespmem:$0x1B280] =	vst v63  }
0x8f: {  	s1 =	simm.s32 $0x10280  }
0x90: {  	[tilespmem:s1], [sflag:$0x2] =	stream.indirect_vreg.gather [hbm4b:s6+s2], $0x80, v4, vm0, $0xb8;
	[tilespmem:$0x1B280] =	vst v63  }
0x91: {  	s1 =	simm.s32 $0x10A80  }
0x92: {  	[tilespmem:s1], [sflag:$0x2] =	stream.indirect_vreg.gather [hbm4b:s3+s2], $0x80, v3, vm0, $0xb8;
	[tilespmem:$0x1B280] =	vst v63  }
0x93: {  	s1 =	simm.s32 $0x11280  }
0x94: {  	[tilespmem:s1], [sflag:$0x2] =	stream.indirect_vreg.gather [hbm4b:s5+s2], $0x80, v3, vm0, $0xb8;
	[tilespmem:$0x1B280] =	vst v63  }
0x95: {  	s29 =	simm.s32 $0x70;
	s30 =	simm.s32 $0x0;
	s1 =	simm.s32 $0x11A80  }
0x96: {  	[tilespmem:s1], [sflag:$0x2] =	stream.indirect_vreg.gather [hbm4b:s6+s2], $0x80, v3, vm0, $0xb8;
	[tilespmem:$0x1B280] =	vst v63  }
.LBB2_2:
0x97: {  	_ =	swait.ge [sflag:s25], $0x9000  }
0x98: {  	[sflag:s25] =	ssyncset.done $0x0  }
0x99: {  	s1 =	sadd.s32 s30, s8;
	p0 =	seq.s32 s30, $0x0;
	[sflag:s25] =	ssyncadd.s32 $0xFFFF7000  }
0x9a: {  	[hbm4b:s1+s2] =	stream.linear.scatter [tilespmem:s12], [sflag:$0x4], $0x9000, $0x38;
	[tilespmem:$0x1B280] =	vst v63  }
0x9b: {  	s1 =	simm.s32 @!p0 $0x6  }
0x9c: {  	_ =	swait.ge @!p0 [sflag:s1], $0x9000  }
0x9d: {  	[sflag:s1] =	ssyncset.done @!p0 $0x0  }
0x9e: {  	[sflag:s1] =	ssyncadd.s32 @!p0 $0xFFFF7000  }
0x9f: {  	v3 =	vld [tilespmem:s29+$0xFFFFFFF0];
	_ =	sdelay $0x4  }
0xa0: {  	v4 =	vshrl.u32 v3, $0x3  }
0xa1: {  	v4 =	vmul.u32 $0x30, v4  }
0xa2: {  	v3 =	vand.u32 $0x7, v3  }
0xa3: {  	v3 =	vor.u32 v3, v4  }
0xa4: {  	v4 =	vperm.xlane v3, v0;
	_ =	sdelay $0x1  }
0xa5: {  	v4 =	vadd.s32 v1, v4;
	_ =	sdelay $0x3  }
0xa6: {  	v3 =	vperm.xlane v3, v2  }
0xa7: {  	[tilespmem:s26], [sflag:$0x3] =	stream.indirect_vreg.gather [hbm4b:s3+s2], $0x80, v4, vm0, $0xb8;
	[tilespmem:$0x1B280] =	vst v63  }
0xa8: {  	s1 =	simm.s32 $0x12A80;
	v3 =	vadd.s32 v1, v3  }
0xa9: {  	[tilespmem:s1], [sflag:$0x3] =	stream.indirect_vreg.gather [hbm4b:s5+s2], $0x80, v4, vm0, $0xb8;
	[tilespmem:$0x1B280] =	vst v63  }
0xaa: {  	s1 =	simm.s32 $0x13280  }
0xab: {  	[tilespmem:s1], [sflag:$0x3] =	stream.indirect_vreg.gather [hbm4b:s6+s2], $0x80, v4, vm0, $0xb8;
	[tilespmem:$0x1B280] =	vst v63  }
0xac: {  	s1 =	simm.s32 $0x13A80  }
0xad: {  	[tilespmem:s1], [sflag:$0x3] =	stream.indirect_vreg.gather [hbm4b:s3+s2], $0x80, v3, vm0, $0xb8;
	[tilespmem:$0x1B280] =	vst v63  }
0xae: {  	s1 =	simm.s32 $0x14280  }
0xaf: {  	[tilespmem:s1], [sflag:$0x3] =	stream.indirect_vreg.gather [hbm4b:s5+s2], $0x80, v3, vm0, $0xb8;
	[tilespmem:$0x1B280] =	vst v63  }
0xb0: {  	_ = 	snop  }
0xb1: {  	[tilespmem:s0], [sflag:$0x3] =	stream.indirect_vreg.gather [hbm4b:s6+s2], $0x80, v3, vm0, $0xb8;
	[tilespmem:$0x1B280] =	vst v63  }
0xb2: {  	v3 =	vld [tilespmem:s29+$0x0];
	_ =	sdelay $0x4  }
0xb3: {  	v62 =	vshrl.u32 v3, $0x3  }
0xb4: {  	v4 =	vmul.u32 $0x30, v62  }
0xb5: {  	v3 =	vand.u32 $0x7, v3  }
0xb6: {  	v3 =	vor.u32 v3, v4  }
0xb7: {  	v4 =	vperm.xlane v3, v0;
	_ =	sdelay $0x1  }
0xb8: {  	v4 =	vadd.s32 v1, v4;
	_ =	sdelay $0x3  }
0xb9: {  	v3 =	vperm.xlane v3, v2  }
0xba: {  	[tilespmem:s4], [sflag:$0x3] =	stream.indirect_vreg.gather [hbm4b:s3+s2], $0x80, v4, vm0, $0xb8;
	[tilespmem:$0x1B280] =	vst v63  }
0xbb: {  	v3 =	vadd.s32 v1, v3  }
0xbc: {  	[tilespmem:s7], [sflag:$0x3] =	stream.indirect_vreg.gather [hbm4b:s5+s2], $0x80, v4, vm0, $0xb8;
	[tilespmem:$0x1B280] =	vst v63  }
0xbd: {  	_ = 	snop  }
0xbe: {  	[tilespmem:s11], [sflag:$0x3] =	stream.indirect_vreg.gather [hbm4b:s6+s2], $0x80, v4, vm0, $0xb8;
	[tilespmem:$0x1B280] =	vst v63  }
0xbf: {  	_ = 	snop  }
0xc0: {  	[tilespmem:s13], [sflag:$0x3] =	stream.indirect_vreg.gather [hbm4b:s3+s2], $0x80, v3, vm0, $0xb8;
	[tilespmem:$0x1B280] =	vst v63  }
0xc1: {  	_ = 	snop  }
0xc2: {  	[tilespmem:s14], [sflag:$0x3] =	stream.indirect_vreg.gather [hbm4b:s5+s2], $0x80, v3, vm0, $0xb8;
	[tilespmem:$0x1B280] =	vst v63  }
0xc3: {  	_ = 	snop  }
0xc4: {  	[tilespmem:s15], [sflag:$0x3] =	stream.indirect_vreg.gather [hbm4b:s6+s2], $0x80, v3, vm0, $0xb8;
	[tilespmem:$0x1B280] =	vst v63  }
0xc5: {  	v3 =	vld [tilespmem:s29+$0x10];
	_ =	sdelay $0x4  }
0xc6: {  	v63 =	vshrl.u32 v3, $0x3  }
0xc7: {  	v4 =	vmul.u32 $0x30, v63  }
0xc8: {  	v3 =	vand.u32 $0x7, v3  }
0xc9: {  	v3 =	vor.u32 v3, v4  }
0xca: {  	v4 =	vperm.xlane v3, v0;
	_ =	sdelay $0x1  }
0xcb: {  	v4 =	vadd.s32 v1, v4;
	_ =	sdelay $0x3  }
0xcc: {  	v3 =	vperm.xlane v3, v2  }
0xcd: {  	[tilespmem:s16], [sflag:$0x3] =	stream.indirect_vreg.gather [hbm4b:s3+s2], $0x80, v4, vm0, $0xb8;
	[tilespmem:$0x1B280] =	vst v63  }
0xce: {  	v3 =	vadd.s32 v1, v3  }
0xcf: {  	[tilespmem:s17], [sflag:$0x3] =	stream.indirect_vreg.gather [hbm4b:s5+s2], $0x80, v4, vm0, $0xb8;
	[tilespmem:$0x1B280] =	vst v63  }
0xd0: {  	_ = 	snop  }
0xd1: {  	[tilespmem:s18], [sflag:$0x3] =	stream.indirect_vreg.gather [hbm4b:s6+s2], $0x80, v4, vm0, $0xb8;
	[tilespmem:$0x1B280] =	vst v63  }
0xd2: {  	_ = 	snop  }
0xd3: {  	[tilespmem:s19], [sflag:$0x3] =	stream.indirect_vreg.gather [hbm4b:s3+s2], $0x80, v3, vm0, $0xb8;
	[tilespmem:$0x1B280] =	vst v63  }
0xd4: {  	_ = 	snop  }
0xd5: {  	[tilespmem:s20], [sflag:$0x3] =	stream.indirect_vreg.gather [hbm4b:s5+s2], $0x80, v3, vm0, $0xb8;
	[tilespmem:$0x1B280] =	vst v63  }
0xd6: {  	_ = 	snop  }
0xd7: {  	[tilespmem:s21], [sflag:$0x3] =	stream.indirect_vreg.gather [hbm4b:s6+s2], $0x80, v3, vm0, $0xb8;
	[tilespmem:$0x1B280] =	vst v63  }
0xd8: {  	_ =	swait.ge [sflag:s22], $0x9000  }
0xd9: {  	p0 =	seq.s32 s30, $0xA200;
	[sflag:s22] =	ssyncset.done $0x0  }
.Ltmp2:
0xda: {  	s1 =	sadd.s32 s30, s10;
	[sflag:s22] =	ssyncadd.s32 $0xFFFF7000;
	(pc) =	sbr.rel @p0 .LBB2_4-.Ltmp2, $4  }
0xdb: {  	[hbm4b:s1+s2] =	stream.linear.scatter [tilespmem:s31], [sflag:$0x5], $0x9000, $0x38;
	[tilespmem:$0x1B280] =	vst v63  }
0xdc: {  	_ =	swait.ge [sflag:s23], $0x9000  }
0xdd: {  	[sflag:s23] =	ssyncset.done $0x0  }
0xde: {  	[sflag:s23] =	ssyncadd.s32 $0xFFFF7000  }
0xdf: {  	v3 =	vld [tilespmem:s29+$0x20];
	_ =	sdelay $0x4  }
0xe0: {  	v4 =	vshrl.u32 v3, $0x3  }
0xe1: {  	v4 =	vmul.u32 $0x30, v4  }
0xe2: {  	v3 =	vand.u32 $0x7, v3  }
0xe3: {  	v3 =	vor.u32 v3, v4  }
0xe4: {  	v4 =	vperm.xlane v3, v0;
	_ =	sdelay $0x1  }
0xe5: {  	v4 =	vadd.s32 v1, v4;
	_ =	sdelay $0x3  }
0xe6: {  	v3 =	vperm.xlane v3, v2  }
0xe7: {  	[tilespmem:s12], [sflag:$0x1] =	stream.indirect_vreg.gather [hbm4b:s3+s2], $0x80, v4, vm0, $0xb8;
	[tilespmem:$0x1B280] =	vst v63  }
0xe8: {  	s1 =	simm.s32 $0xA80;
	v3 =	vadd.s32 v1, v3  }
0xe9: {  	[tilespmem:s1], [sflag:$0x1] =	stream.indirect_vreg.gather [hbm4b:s5+s2], $0x80, v4, vm0, $0xb8;
	[tilespmem:$0x1B280] =	vst v63  }
0xea: {  	s1 =	simm.s32 $0x1280  }
0xeb: {  	[tilespmem:s1], [sflag:$0x1] =	stream.indirect_vreg.gather [hbm4b:s6+s2], $0x80, v4, vm0, $0xb8;
	[tilespmem:$0x1B280] =	vst v63  }
0xec: {  	s1 =	simm.s32 $0x1A80  }
0xed: {  	[tilespmem:s1], [sflag:$0x1] =	stream.indirect_vreg.gather [hbm4b:s3+s2], $0x80, v3, vm0, $0xb8;
	[tilespmem:$0x1B280] =	vst v63  }
0xee: {  	s1 =	simm.s32 $0x2280  }
0xef: {  	[tilespmem:s1], [sflag:$0x1] =	stream.indirect_vreg.gather [hbm4b:s5+s2], $0x80, v3, vm0, $0xb8;
	[tilespmem:$0x1B280] =	vst v63  }
0xf0: {  	s1 =	simm.s32 $0x2A80  }
0xf1: {  	[tilespmem:s1], [sflag:$0x1] =	stream.indirect_vreg.gather [hbm4b:s6+s2], $0x80, v3, vm0, $0xb8;
	[tilespmem:$0x1B280] =	vst v63  }
0xf2: {  	v3 =	vld [tilespmem:s29+$0x30];
	_ =	sdelay $0x4  }
0xf3: {  	v62 =	vshrl.u32 v3, $0x3  }
0xf4: {  	v4 =	vmul.u32 $0x30, v62  }
0xf5: {  	v3 =	vand.u32 $0x7, v3  }
0xf6: {  	v3 =	vor.u32 v3, v4  }
0xf7: {  	v4 =	vperm.xlane v3, v0;
	_ =	sdelay $0x1  }
0xf8: {  	v4 =	vadd.s32 v1, v4;
	_ =	sdelay $0x3  }
0xf9: {  	s1 =	simm.s32 $0x3280;
	v3 =	vperm.xlane v3, v2  }
0xfa: {  	[tilespmem:s1], [sflag:$0x1] =	stream.indirect_vreg.gather [hbm4b:s3+s2], $0x80, v4, vm0, $0xb8;
	[tilespmem:$0x1B280] =	vst v63  }
0xfb: {  	v3 =	vadd.s32 v1, v3;
	s1 =	simm.s32 $0x3A80  }
0xfc: {  	[tilespmem:s1], [sflag:$0x1] =	stream.indirect_vreg.gather [hbm4b:s5+s2], $0x80, v4, vm0, $0xb8;
	[tilespmem:$0x1B280] =	vst v63  }
0xfd: {  	s1 =	simm.s32 $0x4280  }
0xfe: {  	[tilespmem:s1], [sflag:$0x1] =	stream.indirect_vreg.gather [hbm4b:s6+s2], $0x80, v4, vm0, $0xb8;
	[tilespmem:$0x1B280] =	vst v63  }
0xff: {  	s1 =	simm.s32 $0x4A80  }
0x100: {  	[tilespmem:s1], [sflag:$0x1] =	stream.indirect_vreg.gather [hbm4b:s3+s2], $0x80, v3, vm0, $0xb8;
	[tilespmem:$0x1B280] =	vst v63  }
0x101: {  	s1 =	simm.s32 $0x5280  }
0x102: {  	[tilespmem:s1], [sflag:$0x1] =	stream.indirect_vreg.gather [hbm4b:s5+s2], $0x80, v3, vm0, $0xb8;
	[tilespmem:$0x1B280] =	vst v63  }
0x103: {  	s1 =	simm.s32 $0x5A80  }
0x104: {  	[tilespmem:s1], [sflag:$0x1] =	stream.indirect_vreg.gather [hbm4b:s6+s2], $0x80, v3, vm0, $0xb8;
	[tilespmem:$0x1B280] =	vst v63  }
0x105: {  	v3 =	vld [tilespmem:s29+$0x40];
	_ =	sdelay $0x4  }
0x106: {  	v63 =	vshrl.u32 v3, $0x3  }
0x107: {  	v4 =	vmul.u32 $0x30, v63  }
0x108: {  	v3 =	vand.u32 $0x7, v3  }
0x109: {  	v3 =	vor.u32 v3, v4  }
0x10a: {  	v4 =	vperm.xlane v3, v0;
	_ =	sdelay $0x1  }
0x10b: {  	v4 =	vadd.s32 v1, v4;
	_ =	sdelay $0x3  }
0x10c: {  	s1 =	simm.s32 $0x6280;
	v3 =	vperm.xlane v3, v2  }
0x10d: {  	[tilespmem:s1], [sflag:$0x1] =	stream.indirect_vreg.gather [hbm4b:s3+s2], $0x80, v4, vm0, $0xb8;
	[tilespmem:$0x1B280] =	vst v63  }
0x10e: {  	v3 =	vadd.s32 v1, v3;
	s1 =	simm.s32 $0x6A80  }
0x10f: {  	[tilespmem:s1], [sflag:$0x1] =	stream.indirect_vreg.gather [hbm4b:s5+s2], $0x80, v4, vm0, $0xb8;
	[tilespmem:$0x1B280] =	vst v63  }
0x110: {  	s1 =	simm.s32 $0x7280  }
0x111: {  	[tilespmem:s1], [sflag:$0x1] =	stream.indirect_vreg.gather [hbm4b:s6+s2], $0x80, v4, vm0, $0xb8;
	[tilespmem:$0x1B280] =	vst v63  }
0x112: {  	s1 =	simm.s32 $0x7A80  }
0x113: {  	[tilespmem:s1], [sflag:$0x1] =	stream.indirect_vreg.gather [hbm4b:s3+s2], $0x80, v3, vm0, $0xb8;
	[tilespmem:$0x1B280] =	vst v63  }
0x114: {  	s1 =	simm.s32 $0x8280  }
0x115: {  	[tilespmem:s1], [sflag:$0x1] =	stream.indirect_vreg.gather [hbm4b:s5+s2], $0x80, v3, vm0, $0xb8;
	[tilespmem:$0x1B280] =	vst v63  }
0x116: {  	s1 =	simm.s32 $0x8A80  }
0x117: {  	[tilespmem:s1], [sflag:$0x1] =	stream.indirect_vreg.gather [hbm4b:s6+s2], $0x80, v3, vm0, $0xb8;
	[tilespmem:$0x1B280] =	vst v63  }
.LBB2_4:
0x118: {  	_ =	swait.ge [sflag:s24], $0x9000  }
0x119: {  	[sflag:s24] =	ssyncset.done $0x0  }
.Ltmp3:
0x11a: {  	s1 =	sadd.s32 s30, s9;
	[sflag:s24] =	ssyncadd.s32 $0xFFFF7000;
	(pc) =	sbr.rel @p0 .LBB2_6-.Ltmp3, $4  }
0x11b: {  	[hbm4b:s1+s2] =	stream.linear.scatter [tilespmem:s26], [sflag:$0x6], $0x9000, $0x38;
	[tilespmem:$0x1B280] =	vst v63  }
0x11c: {  	_ =	swait.ge [sflag:s28], $0x9000  }
0x11d: {  	[sflag:s28] =	ssyncset.done $0x0  }
0x11e: {  	[sflag:s28] =	ssyncadd.s32 $0xFFFF7000  }
0x11f: {  	v3 =	vld [tilespmem:s29+$0x50];
	_ =	sdelay $0x4  }
0x120: {  	v4 =	vshrl.u32 v3, $0x3  }
0x121: {  	v4 =	vmul.u32 $0x30, v4  }
0x122: {  	v3 =	vand.u32 $0x7, v3  }
0x123: {  	v3 =	vor.u32 v3, v4  }
0x124: {  	v4 =	vperm.xlane v3, v0;
	_ =	sdelay $0x1  }
0x125: {  	v4 =	vadd.s32 v1, v4;
	_ =	sdelay $0x3  }
0x126: {  	v3 =	vperm.xlane v3, v2  }
0x127: {  	[tilespmem:s31], [sflag:$0x2] =	stream.indirect_vreg.gather [hbm4b:s3+s2], $0x80, v4, vm0, $0xb8;
	[tilespmem:$0x1B280] =	vst v63  }
0x128: {  	s1 =	simm.s32 $0x9A80;
	v3 =	vadd.s32 v1, v3  }
0x129: {  	[tilespmem:s1], [sflag:$0x2] =	stream.indirect_vreg.gather [hbm4b:s5+s2], $0x80, v4, vm0, $0xb8;
	[tilespmem:$0x1B280] =	vst v63  }
0x12a: {  	s1 =	simm.s32 $0xA280  }
0x12b: {  	[tilespmem:s1], [sflag:$0x2] =	stream.indirect_vreg.gather [hbm4b:s6+s2], $0x80, v4, vm0, $0xb8;
	[tilespmem:$0x1B280] =	vst v63  }
0x12c: {  	s1 =	simm.s32 $0xAA80  }
0x12d: {  	[tilespmem:s1], [sflag:$0x2] =	stream.indirect_vreg.gather [hbm4b:s3+s2], $0x80, v3, vm0, $0xb8;
	[tilespmem:$0x1B280] =	vst v63  }
0x12e: {  	s1 =	simm.s32 $0xB280  }
0x12f: {  	[tilespmem:s1], [sflag:$0x2] =	stream.indirect_vreg.gather [hbm4b:s5+s2], $0x80, v3, vm0, $0xb8;
	[tilespmem:$0x1B280] =	vst v63  }
0x130: {  	s1 =	simm.s32 $0xBA80  }
0x131: {  	[tilespmem:s1], [sflag:$0x2] =	stream.indirect_vreg.gather [hbm4b:s6+s2], $0x80, v3, vm0, $0xb8;
	[tilespmem:$0x1B280] =	vst v63  }
0x132: {  	v3 =	vld [tilespmem:s29+$0x60];
	_ =	sdelay $0x4  }
0x133: {  	v62 =	vshrl.u32 v3, $0x3  }
0x134: {  	v4 =	vmul.u32 $0x30, v62  }
0x135: {  	v3 =	vand.u32 $0x7, v3  }
0x136: {  	v3 =	vor.u32 v3, v4  }
0x137: {  	v4 =	vperm.xlane v3, v0;
	_ =	sdelay $0x1  }
0x138: {  	v4 =	vadd.s32 v1, v4;
	_ =	sdelay $0x3  }
0x139: {  	s1 =	simm.s32 $0xC280;
	v3 =	vperm.xlane v3, v2  }
0x13a: {  	[tilespmem:s1], [sflag:$0x2] =	stream.indirect_vreg.gather [hbm4b:s3+s2], $0x80, v4, vm0, $0xb8;
	[tilespmem:$0x1B280] =	vst v63  }
0x13b: {  	v3 =	vadd.s32 v1, v3;
	s1 =	simm.s32 $0xCA80  }
0x13c: {  	[tilespmem:s1], [sflag:$0x2] =	stream.indirect_vreg.gather [hbm4b:s5+s2], $0x80, v4, vm0, $0xb8;
	[tilespmem:$0x1B280] =	vst v63  }
0x13d: {  	s1 =	simm.s32 $0xD280  }
0x13e: {  	[tilespmem:s1], [sflag:$0x2] =	stream.indirect_vreg.gather [hbm4b:s6+s2], $0x80, v4, vm0, $0xb8;
	[tilespmem:$0x1B280] =	vst v63  }
0x13f: {  	s1 =	simm.s32 $0xDA80  }
0x140: {  	[tilespmem:s1], [sflag:$0x2] =	stream.indirect_vreg.gather [hbm4b:s3+s2], $0x80, v3, vm0, $0xb8;
	[tilespmem:$0x1B280] =	vst v63  }
0x141: {  	s1 =	simm.s32 $0xE280  }
0x142: {  	[tilespmem:s1], [sflag:$0x2] =	stream.indirect_vreg.gather [hbm4b:s5+s2], $0x80, v3, vm0, $0xb8;
	[tilespmem:$0x1B280] =	vst v63  }
0x143: {  	s1 =	simm.s32 $0xEA80  }
0x144: {  	[tilespmem:s1], [sflag:$0x2] =	stream.indirect_vreg.gather [hbm4b:s6+s2], $0x80, v3, vm0, $0xb8;
	[tilespmem:$0x1B280] =	vst v63  }
0x145: {  	v3 =	vld [tilespmem:s29+$0x70];
	_ =	sdelay $0x4  }
0x146: {  	v63 =	vshrl.u32 v3, $0x3  }
0x147: {  	v4 =	vmul.u32 $0x30, v63  }
0x148: {  	v3 =	vand.u32 $0x7, v3  }
0x149: {  	v3 =	vor.u32 v3, v4  }
0x14a: {  	v4 =	vperm.xlane v3, v0;
	_ =	sdelay $0x1  }
0x14b: {  	v4 =	vadd.s32 v1, v4;
	_ =	sdelay $0x3  }
0x14c: {  	s1 =	simm.s32 $0xF280;
	v3 =	vperm.xlane v3, v2  }
0x14d: {  	[tilespmem:s1], [sflag:$0x2] =	stream.indirect_vreg.gather [hbm4b:s3+s2], $0x80, v4, vm0, $0xb8;
	[tilespmem:$0x1B280] =	vst v63  }
0x14e: {  	v3 =	vadd.s32 v1, v3;
	s1 =	simm.s32 $0xFA80  }
0x14f: {  	[tilespmem:s1], [sflag:$0x2] =	stream.indirect_vreg.gather [hbm4b:s5+s2], $0x80, v4, vm0, $0xb8;
	[tilespmem:$0x1B280] =	vst v63  }
0x150: {  	s1 =	simm.s32 $0x10280  }
0x151: {  	[tilespmem:s1], [sflag:$0x2] =	stream.indirect_vreg.gather [hbm4b:s6+s2], $0x80, v4, vm0, $0xb8;
	[tilespmem:$0x1B280] =	vst v63  }
0x152: {  	s1 =	simm.s32 $0x10A80  }
0x153: {  	[tilespmem:s1], [sflag:$0x2] =	stream.indirect_vreg.gather [hbm4b:s3+s2], $0x80, v3, vm0, $0xb8;
	[tilespmem:$0x1B280] =	vst v63  }
.Ltmp4:
0x154: {  	_ = 	snop;
	(pc) =	sbr.rel .LBB2_2-.Ltmp4, $4  }
0x155: {  	s1 =	simm.s32 $0x11280  }
0x156: {  	[tilespmem:s1], [sflag:$0x2] =	stream.indirect_vreg.gather [hbm4b:s5+s2], $0x80, v3, vm0, $0xb8;
	[tilespmem:$0x1B280] =	vst v63  }
0x157: {  	s30 =	sadd.s32 $0x3600, s30;
	s29 =	sadd.s32 $0x90, s29;
	s1 =	simm.s32 $0x11A80  }
0x158: {  	[tilespmem:s1], [sflag:$0x2] =	stream.indirect_vreg.gather [hbm4b:s6+s2], $0x80, v3, vm0, $0xb8;
	[tilespmem:$0x1B280] =	vst v63  }
.LBB2_7:
0x159: {  	_ =	sfence.sel $0x180000  }
0x15a: {  	[bflag:$0x0] =	sbarrier.arrive $0xFFFF  }
0x15b: {  	_ =	strace $0x90000047  }
0x15c: {  	s0 =	stileid.u32;
	[bflag:$0x2] =	sbarrier.arrive $0xFFFF  }
0x15d: {  	p0 =	sne.s32 s0, $0x0;
	s0 =	rddreg [dreg:$0x2]  }
0x15e: {  	s0 =	sadd.s32 @!p0 $0x100000, s0  }
0x15f: {  	[sflag:s0] =	ssyncadd.tile.s32 @!p0 $0x1;
	_ =	shalt  }
.Lfunc_end2:
_tile_overlayer_lowered:
.L_overlay_start_2:
0x160: {  	(tag) =	ssettag $0x2  }
0x161: {  	s0 =	rddreg [dreg:$0x0];
	s2 =	stileid.u32  }
0x162: {  	s1 =	rddreg [dreg:$0x1];
	p0 =	sne.s32 s2, $0x0  }
0x163: {  	s3 =	rddreg [dreg:$0x2];
	[bflag:$0x3] =	sbarrier.arrive $0xFFFF;
	s2 =	simm.s32 @!p0 $0x1C07  }
0x164: {  	[timem:s3], [sflag:s2] =	dma.local @!p0 [hbm:s0], s1  }
0x165: {  	s0 =	simm.s32 @!p0 $0x7  }
0x166: {  	_ =	swait.ge @!p0 [sflag:s0], s1  }
0x167: {  	s1 =	ssub.s32 @!p0 $0x0, s1;
	[sflag:s0] =	ssyncset.done @!p0 $0x0  }
0x168: {  	[sflag:s0] =	ssyncadd.s32 @!p0 s1  }
0x169: {  	[bflag:$0x3] =	sbarrier.arrive $0xFFFF  }
0x16a: {  	_ =	shalt  }

</sc_bundles>
